<compile_context>
chip_gen: v7x
topology: tpu7x:2x2x1
jax: 0.10.2.dev20260603
libtpu: 0.0.44.dev20260713+nightly
codegen_flags: <defaults>
</compile_context>

<pallas_src>
import functools

import jax
import jax.numpy as jnp
from jax import lax
from jax.experimental import pallas as pl
from jax.experimental.pallas import tpu as pltpu
from jax.experimental.pallas import tpu_sc as plsc

N = 10000
E = 320000
N_PAD = 10112
NW = 32
E_PER_W = E // NW
CHUNK = 100
NCHUNK = E_PER_W // CHUNK
ROWS_PER_TILE = N_PAD // 16

_mesh = plsc.VectorSubcoreMesh(core_axis_name="c", subcore_axis_name="s",
                               num_cores=2, num_subcores=16)


@functools.partial(
    pl.kernel,
    out_type=jax.ShapeDtypeStruct((2 * N_PAD, 16), jnp.float32),
    mesh=_mesh,
    scratch_types=[
        pltpu.VMEM((NCHUNK, CHUNK), jnp.int32),
        pltpu.VMEM((CHUNK, 16), jnp.float32),
        pltpu.VMEM_SHARED((N_PAD, 16), jnp.float32),
        pltpu.SemaphoreType.DMA,
        pltpu.SemaphoreType.DMA,
    ],
)
def _deg_kernel(dst_hbm, ones_rows_hbm, init_hbm, out_hbm, idx_v, ones_v,
                deg_sp, sem, sem2):
    cid = lax.axis_index("c")
    tid = lax.axis_index("s")
    wid = tid * 2 + cid
    row0 = tid * ROWS_PER_TILE

    pltpu.sync_copy(dst_hbm.at[wid], idx_v)
    pltpu.sync_copy(ones_rows_hbm, ones_v)
    pltpu.sync_copy(init_hbm.at[pl.ds(row0, ROWS_PER_TILE)],
                    deg_sp.at[pl.ds(row0, ROWS_PER_TILE)])
    plsc.subcore_barrier()

    def body(j, carry):
        pltpu.async_copy(ones_v, deg_sp.at[idx_v.at[j]], sem,
                         add=True).wait()
        return carry

    lax.fori_loop(0, NCHUNK, body, 0)
    plsc.subcore_barrier()
    pltpu.sync_copy(deg_sp.at[pl.ds(row0, ROWS_PER_TILE)],
                    out_hbm.at[pl.ds(cid * N_PAD + row0, ROWS_PER_TILE)])


def _make_agg_kernel(d, chunk):
    nchunk = E_PER_W // chunk

    @functools.partial(
        pl.kernel,
        out_type=jax.ShapeDtypeStruct((2 * N_PAD, d), jnp.float32),
        mesh=_mesh,
        compiler_params=pltpu.CompilerParams(use_tc_tiling_on_sc=False),
        scratch_types=[
            pltpu.VMEM((nchunk, chunk), jnp.int32),
            pltpu.VMEM((nchunk, chunk), jnp.int32),
            pltpu.VMEM((chunk, d), jnp.float32),
            pltpu.VMEM((chunk, d), jnp.float32),
            pltpu.VMEM((chunk, d), jnp.float32),
            pltpu.VMEM((chunk, d), jnp.float32),
            pltpu.VMEM_SHARED((N_PAD, d), jnp.float32),
            pltpu.SemaphoreType.DMA,
            pltpu.SemaphoreType.DMA,
            pltpu.SemaphoreType.DMA,
            pltpu.SemaphoreType.DMA,
            pltpu.SemaphoreType.DMA,
        ],
    )
    def agg(y_hbm, src_hbm, dst_hbm, zeros_hbm, out_hbm,
            idx_s, idx_d, b0, b1, b2, b3, acc_sp, sg0, sg1, sg2, sg3, ss):
        cid = lax.axis_index("c")
        tid = lax.axis_index("s")
        wid = tid * 2 + cid
        row0 = tid * ROWS_PER_TILE

        pltpu.sync_copy(src_hbm.at[wid], idx_s)
        pltpu.sync_copy(dst_hbm.at[wid], idx_d)
        pltpu.sync_copy(zeros_hbm.at[pl.ds(row0, ROWS_PER_TILE)],
                        acc_sp.at[pl.ds(row0, ROWS_PER_TILE)])
        plsc.subcore_barrier()

        def gather(j, buf, sem):
            return pltpu.async_copy(y_hbm.at[idx_s.at[j]], buf, sem)

        def gather_wait(j, buf, sem):
            pltpu.make_async_copy(y_hbm.at[idx_s.at[j]], buf, sem).wait()

        def scatter(j, buf):
            return pltpu.async_copy(buf, acc_sp.at[idx_d.at[j]], ss,
                                    add=True)

        gather(0, b0, sg0)
        gather(1, b1, sg1)
        gather(2, b2, sg2)
        last = nchunk // 4 - 1

        def body(k, carry):
            j0 = 4 * k
            j1 = j0 + 1
            j2 = j0 + 2
            j3 = j0 + 3
            gather_wait(j0, b0, sg0)
            hs0 = scatter(j0, b0)
            gather(j3, b3, sg3)
            gather_wait(j1, b1, sg1)
            hs0.wait()
            hs1 = scatter(j1, b1)

            @pl.when(k < last)
            def _():
                gather(j0 + 4, b0, sg0)

            gather_wait(j2, b2, sg2)
            hs1.wait()
            hs2 = scatter(j2, b2)

            @pl.when(k < last)
            def _():
                gather(j1 + 4, b1, sg1)

            gather_wait(j3, b3, sg3)
            hs2.wait()
            hs3 = scatter(j3, b3)

            @pl.when(k < last)
            def _():
                gather(j2 + 4, b2, sg2)

            hs3.wait()
            return carry

        lax.fori_loop(0, nchunk // 4, body, 0)
        plsc.subcore_barrier()
        pltpu.sync_copy(acc_sp.at[pl.ds(row0, ROWS_PER_TILE)],
                        out_hbm.at[pl.ds(cid * N_PAD + row0,
                                         ROWS_PER_TILE)])

    return agg


_agg128 = _make_agg_kernel(128, chunk=50)
_agg64 = _make_agg_kernel(64, chunk=100)


_BLK = 1264
_NBLK = N_PAD // _BLK


def _dinv_blk(deg0_ref, deg1_ref):
    d = deg0_ref[:, :1] + deg1_ref[:, :1] - 1.0
    return lax.rsqrt(d)


def _scale_mm_body(x_ref, w_ref, deg0_ref, deg1_ref, o_ref):
    dinv = _dinv_blk(deg0_ref, deg1_ref)
    o_ref[...] = jnp.dot(x_ref[...], w_ref[...],
                         preferred_element_type=jnp.float32) * dinv


def _mid_body(a0_ref, a1_ref, y_ref, deg0_ref, deg1_ref, b_ref, w_ref, o_ref):
    dinv = _dinv_blk(deg0_ref, deg1_ref)
    h = dinv * (a0_ref[...] + a1_ref[...] + y_ref[...]) + b_ref[...]
    h = jnp.maximum(h, 0.0)
    o_ref[...] = jnp.dot(h, w_ref[...],
                         preferred_element_type=jnp.float32) * dinv


def _final_body(a0_ref, a1_ref, y_ref, deg0_ref, deg1_ref, b_ref, o_ref):
    dinv = _dinv_blk(deg0_ref, deg1_ref)
    o_ref[...] = dinv * (a0_ref[...] + a1_ref[...] + y_ref[...]) + b_ref[...]


def _row_spec(d):
    return pl.BlockSpec((_BLK, d), lambda i: (i, 0))


def _whole_spec(r, c):
    return pl.BlockSpec((r, c), lambda i: (0, 0))


def kernel(x, edge_index, W1, b1, W2, b2):
    src_blk = edge_index[0].reshape(NW, NCHUNK, CHUNK)
    dst_blk = edge_index[1].reshape(NW, NCHUNK, CHUNK)
    src_blk50 = edge_index[0].reshape(NW, NCHUNK * 2, CHUNK // 2)
    dst_blk50 = edge_index[1].reshape(NW, NCHUNK * 2, CHUNK // 2)
    ones_rows = jnp.ones((CHUNK, 16), jnp.float32)
    init16 = jnp.ones((N_PAD, 16), jnp.float32)
    zeros128 = jnp.zeros((N_PAD, 128), jnp.float32)
    zeros64 = jnp.zeros((N_PAD, 64), jnp.float32)

    x_pad = jnp.pad(x, ((0, N_PAD - N), (0, 0)))

    deg = _deg_kernel(dst_blk, ones_rows, init16)
    deg0 = deg[:N_PAD]
    deg1 = deg[N_PAD:]

    y1 = pl.pallas_call(
        _scale_mm_body,
        grid=(_NBLK,),
        in_specs=[_row_spec(128), _whole_spec(128, 128),
                  _row_spec(16), _row_spec(16)],
        out_specs=_row_spec(128),
        out_shape=jax.ShapeDtypeStruct((N_PAD, 128), jnp.float32),
    )(x_pad, W1, deg0, deg1)

    agg1 = _agg128(y1, src_blk50, dst_blk50, zeros128)
    a1_0 = agg1[:N_PAD]
    a1_1 = agg1[N_PAD:]

    y2 = pl.pallas_call(
        _mid_body,
        grid=(_NBLK,),
        in_specs=[_row_spec(128), _row_spec(128), _row_spec(128),
                  _row_spec(16), _row_spec(16),
                  _whole_spec(1, 128), _whole_spec(128, 64)],
        out_specs=_row_spec(64),
        out_shape=jax.ShapeDtypeStruct((N_PAD, 64), jnp.float32),
    )(a1_0, a1_1, y1, deg0, deg1, b1.reshape(1, 128), W2)

    agg2 = _agg64(y2, src_blk, dst_blk, zeros64)
    a2_0 = agg2[:N_PAD]
    a2_1 = agg2[N_PAD:]

    out = pl.pallas_call(
        _final_body,
        grid=(_NBLK,),
        in_specs=[_row_spec(64), _row_spec(64), _row_spec(64),
                  _row_spec(16), _row_spec(16), _whole_spec(1, 64)],
        out_specs=_row_spec(64),
        out_shape=jax.ShapeDtypeStruct((N_PAD, 64), jnp.float32),
    )(a2_0, a2_1, y2, deg0, deg1, b2.reshape(1, 64))

    return out[:N]

# --- scband reference (transcript-rebuilt; emitter-appended) ---
"""Pipeline reference for scband-gcn-standard-4028679324279 (READ-ONLY COPY).

The authoritative reference and input builder live on the scoring server;
editing this copy changes nothing except your own understanding.
"""

import jax, jax.numpy as jnp
import numpy as np

N = 10000
E = 320000
D_IN = 128
D_HID = 128
D_OUT = 64


def setup_inputs(seed: int = 0) -> dict:
    key = jax.random.key(seed)
    k1, k2, k3, k4, k5, k6 = jax.random.split(key, 6)
    x = jax.random.normal(k1, (N, D_IN), dtype=jnp.float32)
    edge_index = jax.random.randint(k2, (2, E), 0, N, dtype=jnp.int32)
    W1 = jax.random.normal(k3, (D_IN, D_HID), dtype=jnp.float32) * 0.05
    b1 = jnp.zeros((D_HID,), dtype=jnp.float32)
    W2 = jax.random.normal(k4, (D_HID, D_OUT), dtype=jnp.float32) * 0.05
    b2 = jnp.zeros((D_OUT,), dtype=jnp.float32)
    return {"x": x, "edge_index": edge_index, "W1": W1, "b1": b1, "W2": W2, "b2": b2}


def _gcn_conv(x, edge_index, W, b):
    # PyG GCNConv: add self-loops, symmetric D^{-1/2}(A+I)D^{-1/2} normalization
    src = edge_index[0]
    dst = edge_index[1]
    loop = jnp.arange(N, dtype=edge_index.dtype)
    src = jnp.concatenate([src, loop])
    dst = jnp.concatenate([dst, loop])
    ones = jnp.ones(src.shape[0], dtype=x.dtype)
    deg = jax.ops.segment_sum(ones, dst, num_segments=N)
    dinv = jnp.where(deg > 0, 1.0 / jnp.sqrt(deg), 0.0)
    norm = dinv[src] * dinv[dst]
    xw = x @ W
    msg = xw[src] * norm[:, None]
    out = jax.ops.segment_sum(msg, dst, num_segments=N)
    return out + b


def reference(x, edge_index, W1, b1, W2, b2):
    # eval-mode forward: dropout p=0 (training=False, force_dropout=False)
    h = jax.nn.relu(_gcn_conv(x, edge_index, W1, b1))
    return _gcn_conv(h, edge_index, W2, b2)

if __name__ == "__main__":
    import jax
    _d = setup_inputs()
    print(jax.jit(kernel)(*tuple(_d.values())))

</pallas_src>

<mosaic_0001>
#map = affine_map<(d0, d1) -> (0, 0, 0)>
#map1 = affine_map<(d0, d1) -> (0, 0)>
module attributes {stable_mosaic.version = 14 : i64} {
  func.func @_deg_kernel(%arg0: i32, %arg1: i32, %arg2: memref<32x100x100xi32, #tpu.memory_space<hbm>>, %arg3: memref<100x16xf32, #tpu.memory_space<hbm>>, %arg4: memref<10112x16xf32, #tpu.memory_space<hbm>>, %arg5: memref<20224x16xf32, #tpu.memory_space<hbm>>, %arg6: memref<100x100xi32, #tpu.memory_space<vmem>>, %arg7: memref<100x16xf32, #tpu.memory_space<vmem>>, %arg8: memref<10112x16xf32, #tpu.memory_space<vmem_shared>>, %arg9: memref<!tpu.dma_semaphore, #tpu.memory_space<semaphore_mem>>, %arg10: memref<!tpu.dma_semaphore, #tpu.memory_space<semaphore_mem>>) attributes {dimension_semantics = [#tpu.dimension_semantics<core_parallel>, #tpu.dimension_semantics<subcore_parallel>], iteration_bounds = array<i64: 2, 16>, scalar_prefetch = 0 : i64, scratch_operands = 5 : i64, tpu.core_type = #tpu.core_type<sc_vector_subcore>, window_params = [{transform_indices = #map}, {transform_indices = #map1}, {transform_indices = #map1}, {transform_indices = #map1}]} {
    %mul3A = arith.constant 2 : i32
    %mul3A_0 = arith.muli %arg1, %mul3A : i32
    %add3A = arith.addi %mul3A_0, %arg0 : i32
    %mul3A_1 = arith.constant 632 : i32
    %mul3A_2 = arith.muli %arg1, %mul3A_1 : i32
    "tpu.region"() ({
      %run_scoped3A = tpu.sem_alloc : memref<!tpu.dma_semaphore, #tpu.memory_space<semaphore_mem>>
      %dma_start3A = arith.constant 0 : i32
      %dma_start3A_12 = arith.constant 0 : i32
      %dma_start3A_13 = tpu.memref_slice %arg2[%add3A, %dma_start3A, %dma_start3A_12] : memref<32x100x100xi32, #tpu.memory_space<hbm>> -> memref<1x100x100xi32, #tpu.memory_space<hbm>>
      %dma_start3A_14 = tpu.memref_squeeze %dma_start3A_13 : memref<1x100x100xi32, #tpu.memory_space<hbm>> -> memref<100x100xi32, #tpu.memory_space<hbm>>
      %dma_start3A_15 = arith.constant 0 : i32
      %dma_start3A_16 = arith.constant 0 : i32
      %dma_start3A_17 = tpu.memref_slice %arg2[%add3A, %dma_start3A_15, %dma_start3A_16] : memref<32x100x100xi32, #tpu.memory_space<hbm>> -> memref<1x100x100xi32, #tpu.memory_space<hbm>>
      %dma_start3A_18 = tpu.memref_squeeze %dma_start3A_17 : memref<1x100x100xi32, #tpu.memory_space<hbm>> -> memref<100x100xi32, #tpu.memory_space<hbm>>
      tpu.enqueue_dma source(%dma_start3A_18 : memref<100x100xi32, #tpu.memory_space<hbm>>) target(%arg6 : memref<100x100xi32, #tpu.memory_space<vmem>>) target_semaphore(%run_scoped3A : memref<!tpu.dma_semaphore, #tpu.memory_space<semaphore_mem>>)
      %dma_wait3A = arith.constant 0 : i32
      %dma_wait3A_19 = arith.constant 0 : i32
      %dma_wait3A_20 = tpu.memref_slice %arg2[%add3A, %dma_wait3A, %dma_wait3A_19] : memref<32x100x100xi32, #tpu.memory_space<hbm>> -> memref<1x100x100xi32, #tpu.memory_space<hbm>>
      %dma_wait3A_21 = tpu.memref_squeeze %dma_wait3A_20 : memref<1x100x100xi32, #tpu.memory_space<hbm>> -> memref<100x100xi32, #tpu.memory_space<hbm>>
      %dma_wait3A_22 = arith.constant 0 : i32
      %dma_wait3A_23 = arith.constant 0 : i32
      %dma_wait3A_24 = tpu.memref_slice %arg2[%add3A, %dma_wait3A_22, %dma_wait3A_23] : memref<32x100x100xi32, #tpu.memory_space<hbm>> -> memref<1x100x100xi32, #tpu.memory_space<hbm>>
      %dma_wait3A_25 = tpu.memref_squeeze %dma_wait3A_24 : memref<1x100x100xi32, #tpu.memory_space<hbm>> -> memref<100x100xi32, #tpu.memory_space<hbm>>
      tpu.wait_dma2 semaphore(%run_scoped3A : memref<!tpu.dma_semaphore, #tpu.memory_space<semaphore_mem>>) src(%dma_wait3A_25 : memref<100x100xi32, #tpu.memory_space<hbm>>) dst(%arg6 : memref<100x100xi32, #tpu.memory_space<vmem>>)
      tpu.yield
    }) : () -> ()
    "tpu.region"() ({
      %run_scoped3A = tpu.sem_alloc : memref<!tpu.dma_semaphore, #tpu.memory_space<semaphore_mem>>
      tpu.enqueue_dma source(%arg3 : memref<100x16xf32, #tpu.memory_space<hbm>>) target(%arg7 : memref<100x16xf32, #tpu.memory_space<vmem>>) target_semaphore(%run_scoped3A : memref<!tpu.dma_semaphore, #tpu.memory_space<semaphore_mem>>)
      tpu.wait_dma2 semaphore(%run_scoped3A : memref<!tpu.dma_semaphore, #tpu.memory_space<semaphore_mem>>) src(%arg3 : memref<100x16xf32, #tpu.memory_space<hbm>>) dst(%arg7 : memref<100x16xf32, #tpu.memory_space<vmem>>)
      tpu.yield
    }) : () -> ()
    "tpu.region"() ({
      %run_scoped3A = tpu.sem_alloc : memref<!tpu.dma_semaphore, #tpu.memory_space<semaphore_mem>>
      %dma_start3A = arith.constant 0 : i32
      %dma_start3A_12 = tpu.memref_slice %arg8[%mul3A_2, %dma_start3A] : memref<10112x16xf32, #tpu.memory_space<vmem_shared>> -> memref<632x16xf32, #tpu.memory_space<vmem_shared>>
      %dma_start3A_13 = arith.constant 0 : i32
      %dma_start3A_14 = tpu.memref_slice %arg4[%mul3A_2, %dma_start3A_13] : memref<10112x16xf32, #tpu.memory_space<hbm>> -> memref<632x16xf32, #tpu.memory_space<hbm>>
      tpu.enqueue_dma source(%dma_start3A_14 : memref<632x16xf32, #tpu.memory_space<hbm>>) target(%dma_start3A_12 : memref<632x16xf32, #tpu.memory_space<vmem_shared>>) target_semaphore(%run_scoped3A : memref<!tpu.dma_semaphore, #tpu.memory_space<semaphore_mem>>)
      %dma_wait3A = arith.constant 0 : i32
      %dma_wait3A_15 = tpu.memref_slice %arg8[%mul3A_2, %dma_wait3A] : memref<10112x16xf32, #tpu.memory_space<vmem_shared>> -> memref<632x16xf32, #tpu.memory_space<vmem_shared>>
      %dma_wait3A_16 = arith.constant 0 : i32
      %dma_wait3A_17 = tpu.memref_slice %arg4[%mul3A_2, %dma_wait3A_16] : memref<10112x16xf32, #tpu.memory_space<hbm>> -> memref<632x16xf32, #tpu.memory_space<hbm>>
      tpu.wait_dma2 semaphore(%run_scoped3A : memref<!tpu.dma_semaphore, #tpu.memory_space<semaphore_mem>>) src(%dma_wait3A_17 : memref<632x16xf32, #tpu.memory_space<hbm>>) dst(%dma_wait3A_15 : memref<632x16xf32, #tpu.memory_space<vmem_shared>>)
      tpu.yield
    }) : () -> ()
    %barrier3A = arith.constant 0 : index
    tpu.barrier barrier_id(%barrier3A)
    %scan3A = arith.constant 0 : i32
    %scan3A_3 = arith.constant 0 : i32
    %scan3A_4 = arith.constant 100 : i32
    %scan3A_5 = arith.addi %scan3A_3, %scan3A_4 : i32
    %scan3A_6 = arith.constant 1 : i32
    scf.for %scan3A_12 = %scan3A_3 to %scan3A_5 step %scan3A_6  : i32 {
      %dma_start3A = arith.constant 0 : i32
      %dma_start3A_13 = tpu.memref_slice %arg6[%scan3A_12, %dma_start3A] : memref<100x100xi32, #tpu.memory_space<vmem>> -> memref<1x100xi32, #tpu.memory_space<vmem>>
      %dma_start3A_14 = tpu.memref_squeeze %dma_start3A_13 : memref<1x100xi32, #tpu.memory_space<vmem>> -> memref<100xi32, #tpu.memory_space<vmem>>
      %dma_start3A_15 = arith.constant 0 : i32
      %dma_start3A_16 = arith.constant 0 : i32
      %dma_start3A_17 = tpu.memref_slice %arg8[%dma_start3A_15, %dma_start3A_16] : memref<10112x16xf32, #tpu.memory_space<vmem_shared>> -> memref<10112x16xf32, #tpu.memory_space<vmem_shared>>
      tpu.enqueue_indirect_dma source(%arg7 : memref<100x16xf32, #tpu.memory_space<vmem>>) target(%dma_start3A_17 : memref<10112x16xf32, #tpu.memory_space<vmem_shared>>) offsets(%dma_start3A_14 : memref<100xi32, #tpu.memory_space<vmem>>) semaphore(%arg9 : memref<!tpu.dma_semaphore, #tpu.memory_space<semaphore_mem>>) {add = true}
      %dma_wait3A = arith.constant 0 : i32
      %dma_wait3A_18 = tpu.memref_slice %arg6[%scan3A_12, %dma_wait3A] : memref<100x100xi32, #tpu.memory_space<vmem>> -> memref<1x100xi32, #tpu.memory_space<vmem>>
      %dma_wait3A_19 = tpu.memref_squeeze %dma_wait3A_18 : memref<1x100xi32, #tpu.memory_space<vmem>> -> memref<100xi32, #tpu.memory_space<vmem>>
      %dma_wait3A_20 = arith.constant 0 : i32
      %dma_wait3A_21 = arith.constant 0 : i32
      %dma_wait3A_22 = tpu.memref_slice %arg8[%dma_wait3A_20, %dma_wait3A_21] : memref<10112x16xf32, #tpu.memory_space<vmem_shared>> -> memref<10112x16xf32, #tpu.memory_space<vmem_shared>>
      tpu.wait_indirect_dma semaphore(%arg9 : memref<!tpu.dma_semaphore, #tpu.memory_space<semaphore_mem>>) src(%arg7 : memref<100x16xf32, #tpu.memory_space<vmem>>) dst(%dma_wait3A_22 : memref<10112x16xf32, #tpu.memory_space<vmem_shared>>)
    }
    %scan3A_7 = arith.constant 100 : i32
    %barrier3A_8 = arith.constant 0 : index
    tpu.barrier barrier_id(%barrier3A_8)
    %mul3A_9 = arith.constant 10112 : i32
    %mul3A_10 = arith.muli %arg0, %mul3A_9 : i32
    %add3A_11 = arith.addi %mul3A_10, %mul3A_2 : i32
    "tpu.region"() ({
      %run_scoped3A = tpu.sem_alloc : memref<!tpu.dma_semaphore, #tpu.memory_space<semaphore_mem>>
      %dma_start3A = arith.constant 0 : i32
      %dma_start3A_12 = tpu.memref_slice %arg5[%add3A_11, %dma_start3A] : memref<20224x16xf32, #tpu.memory_space<hbm>> -> memref<632x16xf32, #tpu.memory_space<hbm>>
      %dma_start3A_13 = arith.constant 0 : i32
      %dma_start3A_14 = tpu.memref_slice %arg8[%mul3A_2, %dma_start3A_13] : memref<10112x16xf32, #tpu.memory_space<vmem_shared>> -> memref<632x16xf32, #tpu.memory_space<vmem_shared>>
      tpu.enqueue_dma source(%dma_start3A_14 : memref<632x16xf32, #tpu.memory_space<vmem_shared>>) target(%dma_start3A_12 : memref<632x16xf32, #tpu.memory_space<hbm>>) target_semaphore(%run_scoped3A : memref<!tpu.dma_semaphore, #tpu.memory_space<semaphore_mem>>)
      %dma_wait3A = arith.constant 0 : i32
      %dma_wait3A_15 = tpu.memref_slice %arg5[%add3A_11, %dma_wait3A] : memref<20224x16xf32, #tpu.memory_space<hbm>> -> memref<632x16xf32, #tpu.memory_space<hbm>>
      %dma_wait3A_16 = arith.constant 0 : i32
      %dma_wait3A_17 = tpu.memref_slice %arg8[%mul3A_2, %dma_wait3A_16] : memref<10112x16xf32, #tpu.memory_space<vmem_shared>> -> memref<632x16xf32, #tpu.memory_space<vmem_shared>>
      tpu.wait_dma2 semaphore(%run_scoped3A : memref<!tpu.dma_semaphore, #tpu.memory_space<semaphore_mem>>) src(%dma_wait3A_17 : memref<632x16xf32, #tpu.memory_space<vmem_shared>>) dst(%dma_wait3A_15 : memref<632x16xf32, #tpu.memory_space<hbm>>)
      tpu.yield
    }) : () -> ()
    return
  }
}

#map = affine_map<(d0, d1) -> (0, 0)>
#map1 = affine_map<(d0, d1) -> (0, 0, 0)>
module attributes {stable_mosaic.version = 14 : i64} {
  func.func @agg(%arg0: i32, %arg1: i32, %arg2: memref<10112x64xf32, #tpu.memory_space<hbm>>, %arg3: memref<32x100x100xi32, #tpu.memory_space<hbm>>, %arg4: memref<32x100x100xi32, #tpu.memory_space<hbm>>, %arg5: memref<10112x64xf32, #tpu.memory_space<hbm>>, %arg6: memref<20224x64xf32, #tpu.memory_space<hbm>>, %arg7: memref<100x100xi32, #tpu.memory_space<vmem>>, %arg8: memref<100x100xi32, #tpu.memory_space<vmem>>, %arg9: memref<100x64xf32, #tpu.memory_space<vmem>>, %arg10: memref<100x64xf32, #tpu.memory_space<vmem>>, %arg11: memref<100x64xf32, #tpu.memory_space<vmem>>, %arg12: memref<100x64xf32, #tpu.memory_space<vmem>>, %arg13: memref<10112x64xf32, #tpu.memory_space<vmem_shared>>, %arg14: memref<!tpu.dma_semaphore, #tpu.memory_space<semaphore_mem>>, %arg15: memref<!tpu.dma_semaphore, #tpu.memory_space<semaphore_mem>>, %arg16: memref<!tpu.dma_semaphore, #tpu.memory_space<semaphore_mem>>, %arg17: memref<!tpu.dma_semaphore, #tpu.memory_space<semaphore_mem>>, %arg18: memref<!tpu.dma_semaphore, #tpu.memory_space<semaphore_mem>>) attributes {dimension_semantics = [#tpu.dimension_semantics<core_parallel>, #tpu.dimension_semantics<subcore_parallel>], iteration_bounds = array<i64: 2, 16>, scalar_prefetch = 0 : i64, scratch_operands = 12 : i64, tpu.core_type = #tpu.core_type<sc_vector_subcore>, window_params = [{transform_indices = #map}, {transform_indices = #map1}, {transform_indices = #map1}, {transform_indices = #map}, {transform_indices = #map}]} {
    %mul3A = arith.constant 2 : i32
    %mul3A_0 = arith.muli %arg1, %mul3A : i32
    %add3A = arith.addi %mul3A_0, %arg0 : i32
    %mul3A_1 = arith.constant 632 : i32
    %mul3A_2 = arith.muli %arg1, %mul3A_1 : i32
    "tpu.region"() ({
      %run_scoped3A = tpu.sem_alloc : memref<!tpu.dma_semaphore, #tpu.memory_space<semaphore_mem>>
      %dma_start3A_32 = arith.constant 0 : i32
      %dma_start3A_33 = arith.constant 0 : i32
      %dma_start3A_34 = tpu.memref_slice %arg3[%add3A, %dma_start3A_32, %dma_start3A_33] : memref<32x100x100xi32, #tpu.memory_space<hbm>> -> memref<1x100x100xi32, #tpu.memory_space<hbm>>
      %dma_start3A_35 = tpu.memref_squeeze %dma_start3A_34 : memref<1x100x100xi32, #tpu.memory_space<hbm>> -> memref<100x100xi32, #tpu.memory_space<hbm>>
      %dma_start3A_36 = arith.constant 0 : i32
      %dma_start3A_37 = arith.constant 0 : i32
      %dma_start3A_38 = tpu.memref_slice %arg3[%add3A, %dma_start3A_36, %dma_start3A_37] : memref<32x100x100xi32, #tpu.memory_space<hbm>> -> memref<1x100x100xi32, #tpu.memory_space<hbm>>
      %dma_start3A_39 = tpu.memref_squeeze %dma_start3A_38 : memref<1x100x100xi32, #tpu.memory_space<hbm>> -> memref<100x100xi32, #tpu.memory_space<hbm>>
      tpu.enqueue_dma source(%dma_start3A_39 : memref<100x100xi32, #tpu.memory_space<hbm>>) target(%arg7 : memref<100x100xi32, #tpu.memory_space<vmem>>) target_semaphore(%run_scoped3A : memref<!tpu.dma_semaphore, #tpu.memory_space<semaphore_mem>>)
      %dma_wait3A = arith.constant 0 : i32
      %dma_wait3A_40 = arith.constant 0 : i32
      %dma_wait3A_41 = tpu.memref_slice %arg3[%add3A, %dma_wait3A, %dma_wait3A_40] : memref<32x100x100xi32, #tpu.memory_space<hbm>> -> memref<1x100x100xi32, #tpu.memory_space<hbm>>
      %dma_wait3A_42 = tpu.memref_squeeze %dma_wait3A_41 : memref<1x100x100xi32, #tpu.memory_space<hbm>> -> memref<100x100xi32, #tpu.memory_space<hbm>>
      %dma_wait3A_43 = arith.constant 0 : i32
      %dma_wait3A_44 = arith.constant 0 : i32
      %dma_wait3A_45 = tpu.memref_slice %arg3[%add3A, %dma_wait3A_43, %dma_wait3A_44] : memref<32x100x100xi32, #tpu.memory_space<hbm>> -> memref<1x100x100xi32, #tpu.memory_space<hbm>>
      %dma_wait3A_46 = tpu.memref_squeeze %dma_wait3A_45 : memref<1x100x100xi32, #tpu.memory_space<hbm>> -> memref<100x100xi32, #tpu.memory_space<hbm>>
      tpu.wait_dma2 semaphore(%run_scoped3A : memref<!tpu.dma_semaphore, #tpu.memory_space<semaphore_mem>>) src(%dma_wait3A_46 : memref<100x100xi32, #tpu.memory_space<hbm>>) dst(%arg7 : memref<100x100xi32, #tpu.memory_space<vmem>>)
      tpu.yield
    }) : () -> ()
    "tpu.region"() ({
      %run_scoped3A = tpu.sem_alloc : memref<!tpu.dma_semaphore, #tpu.memory_space<semaphore_mem>>
      %dma_start3A_32 = arith.constant 0 : i32
      %dma_start3A_33 = arith.constant 0 : i32
      %dma_start3A_34 = tpu.memref_slice %arg4[%add3A, %dma_start3A_32, %dma_start3A_33] : memref<32x100x100xi32, #tpu.memory_space<hbm>> -> memref<1x100x100xi32, #tpu.memory_space<hbm>>
      %dma_start3A_35 = tpu.memref_squeeze %dma_start3A_34 : memref<1x100x100xi32, #tpu.memory_space<hbm>> -> memref<100x100xi32, #tpu.memory_space<hbm>>
      %dma_start3A_36 = arith.constant 0 : i32
      %dma_start3A_37 = arith.constant 0 : i32
      %dma_start3A_38 = tpu.memref_slice %arg4[%add3A, %dma_start3A_36, %dma_start3A_37] : memref<32x100x100xi32, #tpu.memory_space<hbm>> -> memref<1x100x100xi32, #tpu.memory_space<hbm>>
      %dma_start3A_39 = tpu.memref_squeeze %dma_start3A_38 : memref<1x100x100xi32, #tpu.memory_space<hbm>> -> memref<100x100xi32, #tpu.memory_space<hbm>>
      tpu.enqueue_dma source(%dma_start3A_39 : memref<100x100xi32, #tpu.memory_space<hbm>>) target(%arg8 : memref<100x100xi32, #tpu.memory_space<vmem>>) target_semaphore(%run_scoped3A : memref<!tpu.dma_semaphore, #tpu.memory_space<semaphore_mem>>)
      %dma_wait3A = arith.constant 0 : i32
      %dma_wait3A_40 = arith.constant 0 : i32
      %dma_wait3A_41 = tpu.memref_slice %arg4[%add3A, %dma_wait3A, %dma_wait3A_40] : memref<32x100x100xi32, #tpu.memory_space<hbm>> -> memref<1x100x100xi32, #tpu.memory_space<hbm>>
      %dma_wait3A_42 = tpu.memref_squeeze %dma_wait3A_41 : memref<1x100x100xi32, #tpu.memory_space<hbm>> -> memref<100x100xi32, #tpu.memory_space<hbm>>
      %dma_wait3A_43 = arith.constant 0 : i32
      %dma_wait3A_44 = arith.constant 0 : i32
      %dma_wait3A_45 = tpu.memref_slice %arg4[%add3A, %dma_wait3A_43, %dma_wait3A_44] : memref<32x100x100xi32, #tpu.memory_space<hbm>> -> memref<1x100x100xi32, #tpu.memory_space<hbm>>
      %dma_wait3A_46 = tpu.memref_squeeze %dma_wait3A_45 : memref<1x100x100xi32, #tpu.memory_space<hbm>> -> memref<100x100xi32, #tpu.memory_space<hbm>>
      tpu.wait_dma2 semaphore(%run_scoped3A : memref<!tpu.dma_semaphore, #tpu.memory_space<semaphore_mem>>) src(%dma_wait3A_46 : memref<100x100xi32, #tpu.memory_space<hbm>>) dst(%arg8 : memref<100x100xi32, #tpu.memory_space<vmem>>)
      tpu.yield
    }) : () -> ()
    "tpu.region"() ({
      %run_scoped3A = tpu.sem_alloc : memref<!tpu.dma_semaphore, #tpu.memory_space<semaphore_mem>>
      %dma_start3A_32 = arith.constant 0 : i32
      %dma_start3A_33 = tpu.memref_slice %arg13[%mul3A_2, %dma_start3A_32] : memref<10112x64xf32, #tpu.memory_space<vmem_shared>> -> memref<632x64xf32, #tpu.memory_space<vmem_shared>>
      %dma_start3A_34 = arith.constant 0 : i32
      %dma_start3A_35 = tpu.memref_slice %arg5[%mul3A_2, %dma_start3A_34] : memref<10112x64xf32, #tpu.memory_space<hbm>> -> memref<632x64xf32, #tpu.memory_space<hbm>>
      tpu.enqueue_dma source(%dma_start3A_35 : memref<632x64xf32, #tpu.memory_space<hbm>>) target(%dma_start3A_33 : memref<632x64xf32, #tpu.memory_space<vmem_shared>>) target_semaphore(%run_scoped3A : memref<!tpu.dma_semaphore, #tpu.memory_space<semaphore_mem>>)
      %dma_wait3A = arith.constant 0 : i32
      %dma_wait3A_36 = tpu.memref_slice %arg13[%mul3A_2, %dma_wait3A] : memref<10112x64xf32, #tpu.memory_space<vmem_shared>> -> memref<632x64xf32, #tpu.memory_space<vmem_shared>>
      %dma_wait3A_37 = arith.constant 0 : i32
      %dma_wait3A_38 = tpu.memref_slice %arg5[%mul3A_2, %dma_wait3A_37] : memref<10112x64xf32, #tpu.memory_space<hbm>> -> memref<632x64xf32, #tpu.memory_space<hbm>>
      tpu.wait_dma2 semaphore(%run_scoped3A : memref<!tpu.dma_semaphore, #tpu.memory_space<semaphore_mem>>) src(%dma_wait3A_38 : memref<632x64xf32, #tpu.memory_space<hbm>>) dst(%dma_wait3A_36 : memref<632x64xf32, #tpu.memory_space<vmem_shared>>)
      tpu.yield
    }) : () -> ()
    %barrier3A = arith.constant 0 : index
    tpu.barrier barrier_id(%barrier3A)
    %dma_start3A = arith.constant 0 : i32
    %dma_start3A_3 = arith.constant 0 : i32
    %dma_start3A_4 = tpu.memref_slice %arg7[%dma_start3A, %dma_start3A_3] : memref<100x100xi32, #tpu.memory_space<vmem>> -> memref<1x100xi32, #tpu.memory_space<vmem>>
    %dma_start3A_5 = tpu.memref_squeeze %dma_start3A_4 : memref<1x100xi32, #tpu.memory_space<vmem>> -> memref<100xi32, #tpu.memory_space<vmem>>
    %dma_start3A_6 = arith.constant 0 : i32
    %dma_start3A_7 = arith.constant 0 : i32
    %dma_start3A_8 = tpu.memref_slice %arg2[%dma_start3A_6, %dma_start3A_7] : memref<10112x64xf32, #tpu.memory_space<hbm>> -> memref<10112x64xf32, #tpu.memory_space<hbm>>
    tpu.enqueue_indirect_dma source(%dma_start3A_8 : memref<10112x64xf32, #tpu.memory_space<hbm>>) target(%arg9 : memref<100x64xf32, #tpu.memory_space<vmem>>) offsets(%dma_start3A_5 : memref<100xi32, #tpu.memory_space<vmem>>) semaphore(%arg14 : memref<!tpu.dma_semaphore, #tpu.memory_space<semaphore_mem>>)
    %dma_start3A_9 = arith.constant 1 : i32
    %dma_start3A_10 = arith.constant 0 : i32
    %dma_start3A_11 = tpu.memref_slice %arg7[%dma_start3A_9, %dma_start3A_10] : memref<100x100xi32, #tpu.memory_space<vmem>> -> memref<1x100xi32, #tpu.memory_space<vmem>>
    %dma_start3A_12 = tpu.memref_squeeze %dma_start3A_11 : memref<1x100xi32, #tpu.memory_space<vmem>> -> memref<100xi32, #tpu.memory_space<vmem>>
    %dma_start3A_13 = arith.constant 0 : i32
    %dma_start3A_14 = arith.constant 0 : i32
    %dma_start3A_15 = tpu.memref_slice %arg2[%dma_start3A_13, %dma_start3A_14] : memref<10112x64xf32, #tpu.memory_space<hbm>> -> memref<10112x64xf32, #tpu.memory_space<hbm>>
    tpu.enqueue_indirect_dma source(%dma_start3A_15 : memref<10112x64xf32, #tpu.memory_space<hbm>>) target(%arg10 : memref<100x64xf32, #tpu.memory_space<vmem>>) offsets(%dma_start3A_12 : memref<100xi32, #tpu.memory_space<vmem>>) semaphore(%arg15 : memref<!tpu.dma_semaphore, #tpu.memory_space<semaphore_mem>>)
    %dma_start3A_16 = arith.constant 2 : i32
    %dma_start3A_17 = arith.constant 0 : i32
    %dma_start3A_18 = tpu.memref_slice %arg7[%dma_start3A_16, %dma_start3A_17] : memref<100x100xi32, #tpu.memory_space<vmem>> -> memref<1x100xi32, #tpu.memory_space<vmem>>
    %dma_start3A_19 = tpu.memref_squeeze %dma_start3A_18 : memref<1x100xi32, #tpu.memory_space<vmem>> -> memref<100xi32, #tpu.memory_space<vmem>>
    %dma_start3A_20 = arith.constant 0 : i32
    %dma_start3A_21 = arith.constant 0 : i32
    %dma_start3A_22 = tpu.memref_slice %arg2[%dma_start3A_20, %dma_start3A_21] : memref<10112x64xf32, #tpu.memory_space<hbm>> -> memref<10112x64xf32, #tpu.memory_space<hbm>>
    tpu.enqueue_indirect_dma source(%dma_start3A_22 : memref<10112x64xf32, #tpu.memory_space<hbm>>) target(%arg11 : memref<100x64xf32, #tpu.memory_space<vmem>>) offsets(%dma_start3A_19 : memref<100xi32, #tpu.memory_space<vmem>>) semaphore(%arg16 : memref<!tpu.dma_semaphore, #tpu.memory_space<semaphore_mem>>)
    %scan3A = arith.constant 0 : i32
    %scan3A_23 = arith.constant 0 : i32
    %scan3A_24 = arith.constant 25 : i32
    %scan3A_25 = arith.addi %scan3A_23, %scan3A_24 : i32
    %scan3A_26 = arith.constant 1 : i32
    scf.for %scan3A_32 = %scan3A_23 to %scan3A_25 step %scan3A_26  : i32 {
      %mul3A_33 = arith.constant 4 : i32
      %mul3A_34 = arith.muli %mul3A_33, %scan3A_32 : i32
      %add3A_35 = arith.constant 1 : i32
      %add3A_36 = arith.addi %mul3A_34, %add3A_35 : i32
      %add3A_37 = arith.constant 2 : i32
      %add3A_38 = arith.addi %mul3A_34, %add3A_37 : i32
      %add3A_39 = arith.constant 3 : i32
      %add3A_40 = arith.addi %mul3A_34, %add3A_39 : i32
      %dma_wait3A = arith.constant 0 : i32
      %dma_wait3A_41 = tpu.memref_slice %arg7[%mul3A_34, %dma_wait3A] : memref<100x100xi32, #tpu.memory_space<vmem>> -> memref<1x100xi32, #tpu.memory_space<vmem>>
      %dma_wait3A_42 = tpu.memref_squeeze %dma_wait3A_41 : memref<1x100xi32, #tpu.memory_space<vmem>> -> memref<100xi32, #tpu.memory_space<vmem>>
      %dma_wait3A_43 = arith.constant 0 : i32
      %dma_wait3A_44 = arith.constant 0 : i32
      %dma_wait3A_45 = tpu.memref_slice %arg2[%dma_wait3A_43, %dma_wait3A_44] : memref<10112x64xf32, #tpu.memory_space<hbm>> -> memref<10112x64xf32, #tpu.memory_space<hbm>>
      tpu.wait_indirect_dma semaphore(%arg14 : memref<!tpu.dma_semaphore, #tpu.memory_space<semaphore_mem>>) src(%dma_wait3A_45 : memref<10112x64xf32, #tpu.memory_space<hbm>>) dst(%arg9 : memref<100x64xf32, #tpu.memory_space<vmem>>)
      %dma_start3A_46 = arith.constant 0 : i32
      %dma_start3A_47 = tpu.memref_slice %arg8[%mul3A_34, %dma_start3A_46] : memref<100x100xi32, #tpu.memory_space<vmem>> -> memref<1x100xi32, #tpu.memory_space<vmem>>
      %dma_start3A_48 = tpu.memref_squeeze %dma_start3A_47 : memref<1x100xi32, #tpu.memory_space<vmem>> -> memref<100xi32, #tpu.memory_space<vmem>>
      %dma_start3A_49 = arith.constant 0 : i32
      %dma_start3A_50 = arith.constant 0 : i32
      %dma_start3A_51 = tpu.memref_slice %arg13[%dma_start3A_49, %dma_start3A_50] : memref<10112x64xf32, #tpu.memory_space<vmem_shared>> -> memref<10112x64xf32, #tpu.memory_space<vmem_shared>>
      tpu.enqueue_indirect_dma source(%arg9 : memref<100x64xf32, #tpu.memory_space<vmem>>) target(%dma_start3A_51 : memref<10112x64xf32, #tpu.memory_space<vmem_shared>>) offsets(%dma_start3A_48 : memref<100xi32, #tpu.memory_space<vmem>>) semaphore(%arg18 : memref<!tpu.dma_semaphore, #tpu.memory_space<semaphore_mem>>) {add = true}
      %dma_start3A_52 = arith.constant 0 : i32
      %dma_start3A_53 = tpu.memref_slice %arg7[%add3A_40, %dma_start3A_52] : memref<100x100xi32, #tpu.memory_space<vmem>> -> memref<1x100xi32, #tpu.memory_space<vmem>>
      %dma_start3A_54 = tpu.memref_squeeze %dma_start3A_53 : memref<1x100xi32, #tpu.memory_space<vmem>> -> memref<100xi32, #tpu.memory_space<vmem>>
      %dma_start3A_55 = arith.constant 0 : i32
      %dma_start3A_56 = arith.constant 0 : i32
      %dma_start3A_57 = tpu.memref_slice %arg2[%dma_start3A_55, %dma_start3A_56] : memref<10112x64xf32, #tpu.memory_space<hbm>> -> memref<10112x64xf32, #tpu.memory_space<hbm>>
      tpu.enqueue_indirect_dma source(%dma_start3A_57 : memref<10112x64xf32, #tpu.memory_space<hbm>>) target(%arg12 : memref<100x64xf32, #tpu.memory_space<vmem>>) offsets(%dma_start3A_54 : memref<100xi32, #tpu.memory_space<vmem>>) semaphore(%arg17 : memref<!tpu.dma_semaphore, #tpu.memory_space<semaphore_mem>>)
      %dma_wait3A_58 = arith.constant 0 : i32
      %dma_wait3A_59 = tpu.memref_slice %arg7[%add3A_36, %dma_wait3A_58] : memref<100x100xi32, #tpu.memory_space<vmem>> -> memref<1x100xi32, #tpu.memory_space<vmem>>
      %dma_wait3A_60 = tpu.memref_squeeze %dma_wait3A_59 : memref<1x100xi32, #tpu.memory_space<vmem>> -> memref<100xi32, #tpu.memory_space<vmem>>
      %dma_wait3A_61 = arith.constant 0 : i32
      %dma_wait3A_62 = arith.constant 0 : i32
      %dma_wait3A_63 = tpu.memref_slice %arg2[%dma_wait3A_61, %dma_wait3A_62] : memref<10112x64xf32, #tpu.memory_space<hbm>> -> memref<10112x64xf32, #tpu.memory_space<hbm>>
      tpu.wait_indirect_dma semaphore(%arg15 : memref<!tpu.dma_semaphore, #tpu.memory_space<semaphore_mem>>) src(%dma_wait3A_63 : memref<10112x64xf32, #tpu.memory_space<hbm>>) dst(%arg10 : memref<100x64xf32, #tpu.memory_space<vmem>>)
      %dma_wait3A_64 = arith.constant 0 : i32
      %dma_wait3A_65 = tpu.memref_slice %arg8[%mul3A_34, %dma_wait3A_64] : memref<100x100xi32, #tpu.memory_space<vmem>> -> memref<1x100xi32, #tpu.memory_space<vmem>>
      %dma_wait3A_66 = tpu.memref_squeeze %dma_wait3A_65 : memref<1x100xi32, #tpu.memory_space<vmem>> -> memref<100xi32, #tpu.memory_space<vmem>>
      %dma_wait3A_67 = arith.constant 0 : i32
      %dma_wait3A_68 = arith.constant 0 : i32
      %dma_wait3A_69 = tpu.memref_slice %arg13[%dma_wait3A_67, %dma_wait3A_68] : memref<10112x64xf32, #tpu.memory_space<vmem_shared>> -> memref<10112x64xf32, #tpu.memory_space<vmem_shared>>
      tpu.wait_indirect_dma semaphore(%arg18 : memref<!tpu.dma_semaphore, #tpu.memory_space<semaphore_mem>>) src(%arg9 : memref<100x64xf32, #tpu.memory_space<vmem>>) dst(%dma_wait3A_69 : memref<10112x64xf32, #tpu.memory_space<vmem_shared>>)
      %dma_start3A_70 = arith.constant 0 : i32
      %dma_start3A_71 = tpu.memref_slice %arg8[%add3A_36, %dma_start3A_70] : memref<100x100xi32, #tpu.memory_space<vmem>> -> memref<1x100xi32, #tpu.memory_space<vmem>>
      %dma_start3A_72 = tpu.memref_squeeze %dma_start3A_71 : memref<1x100xi32, #tpu.memory_space<vmem>> -> memref<100xi32, #tpu.memory_space<vmem>>
      %dma_start3A_73 = arith.constant 0 : i32
      %dma_start3A_74 = arith.constant 0 : i32
      %dma_start3A_75 = tpu.memref_slice %arg13[%dma_start3A_73, %dma_start3A_74] : memref<10112x64xf32, #tpu.memory_space<vmem_shared>> -> memref<10112x64xf32, #tpu.memory_space<vmem_shared>>
      tpu.enqueue_indirect_dma source(%arg10 : memref<100x64xf32, #tpu.memory_space<vmem>>) target(%dma_start3A_75 : memref<10112x64xf32, #tpu.memory_space<vmem_shared>>) offsets(%dma_start3A_72 : memref<100xi32, #tpu.memory_space<vmem>>) semaphore(%arg18 : memref<!tpu.dma_semaphore, #tpu.memory_space<semaphore_mem>>) {add = true}
      %lt3A = arith.constant 24 : i32
      %lt3A_76 = arith.cmpi slt, %scan3A_32, %lt3A : i32
      %convert_element_type3A = arith.extui %lt3A_76 : i1 to i32
      %cond3A = arith.constant 0 : i32
      %cond3A_77 = arith.cmpi ne, %convert_element_type3A, %cond3A : i32
      scf.if %cond3A_77 {
        %add3A_130 = arith.constant 4 : i32
        %add3A_131 = arith.addi %mul3A_34, %add3A_130 : i32
        %dma_start3A_132 = arith.constant 0 : i32
        %dma_start3A_133 = tpu.memref_slice %arg7[%add3A_131, %dma_start3A_132] : memref<100x100xi32, #tpu.memory_space<vmem>> -> memref<1x100xi32, #tpu.memory_space<vmem>>
        %dma_start3A_134 = tpu.memref_squeeze %dma_start3A_133 : memref<1x100xi32, #tpu.memory_space<vmem>> -> memref<100xi32, #tpu.memory_space<vmem>>
        %dma_start3A_135 = arith.constant 0 : i32
        %dma_start3A_136 = arith.constant 0 : i32
        %dma_start3A_137 = tpu.memref_slice %arg2[%dma_start3A_135, %dma_start3A_136] : memref<10112x64xf32, #tpu.memory_space<hbm>> -> memref<10112x64xf32, #tpu.memory_space<hbm>>
        tpu.enqueue_indirect_dma source(%dma_start3A_137 : memref<10112x64xf32, #tpu.memory_space<hbm>>) target(%arg9 : memref<100x64xf32, #tpu.memory_space<vmem>>) offsets(%dma_start3A_134 : memref<100xi32, #tpu.memory_space<vmem>>) semaphore(%arg14 : memref<!tpu.dma_semaphore, #tpu.memory_space<semaphore_mem>>)
      } else {
      }
      %dma_wait3A_78 = arith.constant 0 : i32
      %dma_wait3A_79 = tpu.memref_slice %arg7[%add3A_38, %dma_wait3A_78] : memref<100x100xi32, #tpu.memory_space<vmem>> -> memref<1x100xi32, #tpu.memory_space<vmem>>
      %dma_wait3A_80 = tpu.memref_squeeze %dma_wait3A_79 : memref<1x100xi32, #tpu.memory_space<vmem>> -> memref<100xi32, #tpu.memory_space<vmem>>
      %dma_wait3A_81 = arith.constant 0 : i32
      %dma_wait3A_82 = arith.constant 0 : i32
      %dma_wait3A_83 = tpu.memref_slice %arg2[%dma_wait3A_81, %dma_wait3A_82] : memref<10112x64xf32, #tpu.memory_space<hbm>> -> memref<10112x64xf32, #tpu.memory_space<hbm>>
      tpu.wait_indirect_dma semaphore(%arg16 : memref<!tpu.dma_semaphore, #tpu.memory_space<semaphore_mem>>) src(%dma_wait3A_83 : memref<10112x64xf32, #tpu.memory_space<hbm>>) dst(%arg11 : memref<100x64xf32, #tpu.memory_space<vmem>>)
      %dma_wait3A_84 = arith.constant 0 : i32
      %dma_wait3A_85 = tpu.memref_slice %arg8[%add3A_36, %dma_wait3A_84] : memref<100x100xi32, #tpu.memory_space<vmem>> -> memref<1x100xi32, #tpu.memory_space<vmem>>
      %dma_wait3A_86 = tpu.memref_squeeze %dma_wait3A_85 : memref<1x100xi32, #tpu.memory_space<vmem>> -> memref<100xi32, #tpu.memory_space<vmem>>
      %dma_wait3A_87 = arith.constant 0 : i32
      %dma_wait3A_88 = arith.constant 0 : i32
      %dma_wait3A_89 = tpu.memref_slice %arg13[%dma_wait3A_87, %dma_wait3A_88] : memref<10112x64xf32, #tpu.memory_space<vmem_shared>> -> memref<10112x64xf32, #tpu.memory_space<vmem_shared>>
      tpu.wait_indirect_dma semaphore(%arg18 : memref<!tpu.dma_semaphore, #tpu.memory_space<semaphore_mem>>) src(%arg10 : memref<100x64xf32, #tpu.memory_space<vmem>>) dst(%dma_wait3A_89 : memref<10112x64xf32, #tpu.memory_space<vmem_shared>>)
      %dma_start3A_90 = arith.constant 0 : i32
      %dma_start3A_91 = tpu.memref_slice %arg8[%add3A_38, %dma_start3A_90] : memref<100x100xi32, #tpu.memory_space<vmem>> -> memref<1x100xi32, #tpu.memory_space<vmem>>
      %dma_start3A_92 = tpu.memref_squeeze %dma_start3A_91 : memref<1x100xi32, #tpu.memory_space<vmem>> -> memref<100xi32, #tpu.memory_space<vmem>>
      %dma_start3A_93 = arith.constant 0 : i32
      %dma_start3A_94 = arith.constant 0 : i32
      %dma_start3A_95 = tpu.memref_slice %arg13[%dma_start3A_93, %dma_start3A_94] : memref<10112x64xf32, #tpu.memory_space<vmem_shared>> -> memref<10112x64xf32, #tpu.memory_space<vmem_shared>>
      tpu.enqueue_indirect_dma source(%arg11 : memref<100x64xf32, #tpu.memory_space<vmem>>) target(%dma_start3A_95 : memref<10112x64xf32, #tpu.memory_space<vmem_shared>>) offsets(%dma_start3A_92 : memref<100xi32, #tpu.memory_space<vmem>>) semaphore(%arg18 : memref<!tpu.dma_semaphore, #tpu.memory_space<semaphore_mem>>) {add = true}
      %lt3A_96 = arith.constant 24 : i32
      %lt3A_97 = arith.cmpi slt, %scan3A_32, %lt3A_96 : i32
      %convert_element_type3A_98 = arith.extui %lt3A_97 : i1 to i32
      %cond3A_99 = arith.constant 0 : i32
      %cond3A_100 = arith.cmpi ne, %convert_element_type3A_98, %cond3A_99 : i32
      scf.if %cond3A_100 {
        %add3A_130 = arith.constant 4 : i32
        %add3A_131 = arith.addi %add3A_36, %add3A_130 : i32
        %dma_start3A_132 = arith.constant 0 : i32
        %dma_start3A_133 = tpu.memref_slice %arg7[%add3A_131, %dma_start3A_132] : memref<100x100xi32, #tpu.memory_space<vmem>> -> memref<1x100xi32, #tpu.memory_space<vmem>>
        %dma_start3A_134 = tpu.memref_squeeze %dma_start3A_133 : memref<1x100xi32, #tpu.memory_space<vmem>> -> memref<100xi32, #tpu.memory_space<vmem>>
        %dma_start3A_135 = arith.constant 0 : i32
        %dma_start3A_136 = arith.constant 0 : i32
        %dma_start3A_137 = tpu.memref_slice %arg2[%dma_start3A_135, %dma_start3A_136] : memref<10112x64xf32, #tpu.memory_space<hbm>> -> memref<10112x64xf32, #tpu.memory_space<hbm>>
        tpu.enqueue_indirect_dma source(%dma_start3A_137 : memref<10112x64xf32, #tpu.memory_space<hbm>>) target(%arg10 : memref<100x64xf32, #tpu.memory_space<vmem>>) offsets(%dma_start3A_134 : memref<100xi32, #tpu.memory_space<vmem>>) semaphore(%arg15 : memref<!tpu.dma_semaphore, #tpu.memory_space<semaphore_mem>>)
      } else {
      }
      %dma_wait3A_101 = arith.constant 0 : i32
      %dma_wait3A_102 = tpu.memref_slice %arg7[%add3A_40, %dma_wait3A_101] : memref<100x100xi32, #tpu.memory_space<vmem>> -> memref<1x100xi32, #tpu.memory_space<vmem>>
      %dma_wait3A_103 = tpu.memref_squeeze %dma_wait3A_102 : memref<1x100xi32, #tpu.memory_space<vmem>> -> memref<100xi32, #tpu.memory_space<vmem>>
      %dma_wait3A_104 = arith.constant 0 : i32
      %dma_wait3A_105 = arith.constant 0 : i32
      %dma_wait3A_106 = tpu.memref_slice %arg2[%dma_wait3A_104, %dma_wait3A_105] : memref<10112x64xf32, #tpu.memory_space<hbm>> -> memref<10112x64xf32, #tpu.memory_space<hbm>>
      tpu.wait_indirect_dma semaphore(%arg17 : memref<!tpu.dma_semaphore, #tpu.memory_space<semaphore_mem>>) src(%dma_wait3A_106 : memref<10112x64xf32, #tpu.memory_space<hbm>>) dst(%arg12 : memref<100x64xf32, #tpu.memory_space<vmem>>)
      %dma_wait3A_107 = arith.constant 0 : i32
      %dma_wait3A_108 = tpu.memref_slice %arg8[%add3A_38, %dma_wait3A_107] : memref<100x100xi32, #tpu.memory_space<vmem>> -> memref<1x100xi32, #tpu.memory_space<vmem>>
      %dma_wait3A_109 = tpu.memref_squeeze %dma_wait3A_108 : memref<1x100xi32, #tpu.memory_space<vmem>> -> memref<100xi32, #tpu.memory_space<vmem>>
      %dma_wait3A_110 = arith.constant 0 : i32
      %dma_wait3A_111 = arith.constant 0 : i32
      %dma_wait3A_112 = tpu.memref_slice %arg13[%dma_wait3A_110, %dma_wait3A_111] : memref<10112x64xf32, #tpu.memory_space<vmem_shared>> -> memref<10112x64xf32, #tpu.memory_space<vmem_shared>>
      tpu.wait_indirect_dma semaphore(%arg18 : memref<!tpu.dma_semaphore, #tpu.memory_space<semaphore_mem>>) src(%arg11 : memref<100x64xf32, #tpu.memory_space<vmem>>) dst(%dma_wait3A_112 : memref<10112x64xf32, #tpu.memory_space<vmem_shared>>)
      %dma_start3A_113 = arith.constant 0 : i32
      %dma_start3A_114 = tpu.memref_slice %arg8[%add3A_40, %dma_start3A_113] : memref<100x100xi32, #tpu.memory_space<vmem>> -> memref<1x100xi32, #tpu.memory_space<vmem>>
      %dma_start3A_115 = tpu.memref_squeeze %dma_start3A_114 : memref<1x100xi32, #tpu.memory_space<vmem>> -> memref<100xi32, #tpu.memory_space<vmem>>
      %dma_start3A_116 = arith.constant 0 : i32
      %dma_start3A_117 = arith.constant 0 : i32
      %dma_start3A_118 = tpu.memref_slice %arg13[%dma_start3A_116, %dma_start3A_117] : memref<10112x64xf32, #tpu.memory_space<vmem_shared>> -> memref<10112x64xf32, #tpu.memory_space<vmem_shared>>
      tpu.enqueue_indirect_dma source(%arg12 : memref<100x64xf32, #tpu.memory_space<vmem>>) target(%dma_start3A_118 : memref<10112x64xf32, #tpu.memory_space<vmem_shared>>) offsets(%dma_start3A_115 : memref<100xi32, #tpu.memory_space<vmem>>) semaphore(%arg18 : memref<!tpu.dma_semaphore, #tpu.memory_space<semaphore_mem>>) {add = true}
      %lt3A_119 = arith.constant 24 : i32
      %lt3A_120 = arith.cmpi slt, %scan3A_32, %lt3A_119 : i32
      %convert_element_type3A_121 = arith.extui %lt3A_120 : i1 to i32
      %cond3A_122 = arith.constant 0 : i32
      %cond3A_123 = arith.cmpi ne, %convert_element_type3A_121, %cond3A_122 : i32
      scf.if %cond3A_123 {
        %add3A_130 = arith.constant 4 : i32
        %add3A_131 = arith.addi %add3A_38, %add3A_130 : i32
        %dma_start3A_132 = arith.constant 0 : i32
        %dma_start3A_133 = tpu.memref_slice %arg7[%add3A_131, %dma_start3A_132] : memref<100x100xi32, #tpu.memory_space<vmem>> -> memref<1x100xi32, #tpu.memory_space<vmem>>
        %dma_start3A_134 = tpu.memref_squeeze %dma_start3A_133 : memref<1x100xi32, #tpu.memory_space<vmem>> -> memref<100xi32, #tpu.memory_space<vmem>>
        %dma_start3A_135 = arith.constant 0 : i32
        %dma_start3A_136 = arith.constant 0 : i32
        %dma_start3A_137 = tpu.memref_slice %arg2[%dma_start3A_135, %dma_start3A_136] : memref<10112x64xf32, #tpu.memory_space<hbm>> -> memref<10112x64xf32, #tpu.memory_space<hbm>>
        tpu.enqueue_indirect_dma source(%dma_start3A_137 : memref<10112x64xf32, #tpu.memory_space<hbm>>) target(%arg11 : memref<100x64xf32, #tpu.memory_space<vmem>>) offsets(%dma_start3A_134 : memref<100xi32, #tpu.memory_space<vmem>>) semaphore(%arg16 : memref<!tpu.dma_semaphore, #tpu.memory_space<semaphore_mem>>)
      } else {
      }
      %dma_wait3A_124 = arith.constant 0 : i32
      %dma_wait3A_125 = tpu.memref_slice %arg8[%add3A_40, %dma_wait3A_124] : memref<100x100xi32, #tpu.memory_space<vmem>> -> memref<1x100xi32, #tpu.memory_space<vmem>>
      %dma_wait3A_126 = tpu.memref_squeeze %dma_wait3A_125 : memref<1x100xi32, #tpu.memory_space<vmem>> -> memref<100xi32, #tpu.memory_space<vmem>>
      %dma_wait3A_127 = arith.constant 0 : i32
      %dma_wait3A_128 = arith.constant 0 : i32
      %dma_wait3A_129 = tpu.memref_slice %arg13[%dma_wait3A_127, %dma_wait3A_128] : memref<10112x64xf32, #tpu.memory_space<vmem_shared>> -> memref<10112x64xf32, #tpu.memory_space<vmem_shared>>
      tpu.wait_indirect_dma semaphore(%arg18 : memref<!tpu.dma_semaphore, #tpu.memory_space<semaphore_mem>>) src(%arg12 : memref<100x64xf32, #tpu.memory_space<vmem>>) dst(%dma_wait3A_129 : memref<10112x64xf32, #tpu.memory_space<vmem_shared>>)
    }
    %scan3A_27 = arith.constant 25 : i32
    %barrier3A_28 = arith.constant 0 : index
    tpu.barrier barrier_id(%barrier3A_28)
    %mul3A_29 = arith.constant 10112 : i32
    %mul3A_30 = arith.muli %arg0, %mul3A_29 : i32
    %add3A_31 = arith.addi %mul3A_30, %mul3A_2 : i32
    "tpu.region"() ({
      %run_scoped3A = tpu.sem_alloc : memref<!tpu.dma_semaphore, #tpu.memory_space<semaphore_mem>>
      %dma_start3A_32 = arith.constant 0 : i32
      %dma_start3A_33 = tpu.memref_slice %arg6[%add3A_31, %dma_start3A_32] : memref<20224x64xf32, #tpu.memory_space<hbm>> -> memref<632x64xf32, #tpu.memory_space<hbm>>
      %dma_start3A_34 = arith.constant 0 : i32
      %dma_start3A_35 = tpu.memref_slice %arg13[%mul3A_2, %dma_start3A_34] : memref<10112x64xf32, #tpu.memory_space<vmem_shared>> -> memref<632x64xf32, #tpu.memory_space<vmem_shared>>
      tpu.enqueue_dma source(%dma_start3A_35 : memref<632x64xf32, #tpu.memory_space<vmem_shared>>) target(%dma_start3A_33 : memref<632x64xf32, #tpu.memory_space<hbm>>) target_semaphore(%run_scoped3A : memref<!tpu.dma_semaphore, #tpu.memory_space<semaphore_mem>>)
      %dma_wait3A = arith.constant 0 : i32
      %dma_wait3A_36 = tpu.memref_slice %arg6[%add3A_31, %dma_wait3A] : memref<20224x64xf32, #tpu.memory_space<hbm>> -> memref<632x64xf32, #tpu.memory_space<hbm>>
      %dma_wait3A_37 = arith.constant 0 : i32
      %dma_wait3A_38 = tpu.memref_slice %arg13[%mul3A_2, %dma_wait3A_37] : memref<10112x64xf32, #tpu.memory_space<vmem_shared>> -> memref<632x64xf32, #tpu.memory_space<vmem_shared>>
      tpu.wait_dma2 semaphore(%run_scoped3A : memref<!tpu.dma_semaphore, #tpu.memory_space<semaphore_mem>>) src(%dma_wait3A_38 : memref<632x64xf32, #tpu.memory_space<vmem_shared>>) dst(%dma_wait3A_36 : memref<632x64xf32, #tpu.memory_space<hbm>>)
      tpu.yield
    }) : () -> ()
    return
  }
}

#map = affine_map<(d0, d1) -> (0, 0)>
#map1 = affine_map<(d0, d1) -> (0, 0, 0)>
module attributes {stable_mosaic.version = 14 : i64} {
  func.func @agg(%arg0: i32, %arg1: i32, %arg2: memref<10112x128xf32, #tpu.memory_space<hbm>>, %arg3: memref<32x200x50xi32, #tpu.memory_space<hbm>>, %arg4: memref<32x200x50xi32, #tpu.memory_space<hbm>>, %arg5: memref<10112x128xf32, #tpu.memory_space<hbm>>, %arg6: memref<20224x128xf32, #tpu.memory_space<hbm>>, %arg7: memref<200x50xi32, #tpu.memory_space<vmem>>, %arg8: memref<200x50xi32, #tpu.memory_space<vmem>>, %arg9: memref<50x128xf32, #tpu.memory_space<vmem>>, %arg10: memref<50x128xf32, #tpu.memory_space<vmem>>, %arg11: memref<50x128xf32, #tpu.memory_space<vmem>>, %arg12: memref<50x128xf32, #tpu.memory_space<vmem>>, %arg13: memref<10112x128xf32, #tpu.memory_space<vmem_shared>>, %arg14: memref<!tpu.dma_semaphore, #tpu.memory_space<semaphore_mem>>, %arg15: memref<!tpu.dma_semaphore, #tpu.memory_space<semaphore_mem>>, %arg16: memref<!tpu.dma_semaphore, #tpu.memory_space<semaphore_mem>>, %arg17: memref<!tpu.dma_semaphore, #tpu.memory_space<semaphore_mem>>, %arg18: memref<!tpu.dma_semaphore, #tpu.memory_space<semaphore_mem>>) attributes {dimension_semantics = [#tpu.dimension_semantics<core_parallel>, #tpu.dimension_semantics<subcore_parallel>], iteration_bounds = array<i64: 2, 16>, scalar_prefetch = 0 : i64, scratch_operands = 12 : i64, tpu.core_type = #tpu.core_type<sc_vector_subcore>, window_params = [{transform_indices = #map}, {transform_indices = #map1}, {transform_indices = #map1}, {transform_indices = #map}, {transform_indices = #map}]} {
    %mul3A = arith.constant 2 : i32
    %mul3A_0 = arith.muli %arg1, %mul3A : i32
    %add3A = arith.addi %mul3A_0, %arg0 : i32
    %mul3A_1 = arith.constant 632 : i32
    %mul3A_2 = arith.muli %arg1, %mul3A_1 : i32
    "tpu.region"() ({
      %run_scoped3A = tpu.sem_alloc : memref<!tpu.dma_semaphore, #tpu.memory_space<semaphore_mem>>
      %dma_start3A_32 = arith.constant 0 : i32
      %dma_start3A_33 = arith.constant 0 : i32
      %dma_start3A_34 = tpu.memref_slice %arg3[%add3A, %dma_start3A_32, %dma_start3A_33] : memref<32x200x50xi32, #tpu.memory_space<hbm>> -> memref<1x200x50xi32, #tpu.memory_space<hbm>>
      %dma_start3A_35 = tpu.memref_squeeze %dma_start3A_34 : memref<1x200x50xi32, #tpu.memory_space<hbm>> -> memref<200x50xi32, #tpu.memory_space<hbm>>
      %dma_start3A_36 = arith.constant 0 : i32
      %dma_start3A_37 = arith.constant 0 : i32
      %dma_start3A_38 = tpu.memref_slice %arg3[%add3A, %dma_start3A_36, %dma_start3A_37] : memref<32x200x50xi32, #tpu.memory_space<hbm>> -> memref<1x200x50xi32, #tpu.memory_space<hbm>>
      %dma_start3A_39 = tpu.memref_squeeze %dma_start3A_38 : memref<1x200x50xi32, #tpu.memory_space<hbm>> -> memref<200x50xi32, #tpu.memory_space<hbm>>
      tpu.enqueue_dma source(%dma_start3A_39 : memref<200x50xi32, #tpu.memory_space<hbm>>) target(%arg7 : memref<200x50xi32, #tpu.memory_space<vmem>>) target_semaphore(%run_scoped3A : memref<!tpu.dma_semaphore, #tpu.memory_space<semaphore_mem>>)
      %dma_wait3A = arith.constant 0 : i32
      %dma_wait3A_40 = arith.constant 0 : i32
      %dma_wait3A_41 = tpu.memref_slice %arg3[%add3A, %dma_wait3A, %dma_wait3A_40] : memref<32x200x50xi32, #tpu.memory_space<hbm>> -> memref<1x200x50xi32, #tpu.memory_space<hbm>>
      %dma_wait3A_42 = tpu.memref_squeeze %dma_wait3A_41 : memref<1x200x50xi32, #tpu.memory_space<hbm>> -> memref<200x50xi32, #tpu.memory_space<hbm>>
      %dma_wait3A_43 = arith.constant 0 : i32
      %dma_wait3A_44 = arith.constant 0 : i32
      %dma_wait3A_45 = tpu.memref_slice %arg3[%add3A, %dma_wait3A_43, %dma_wait3A_44] : memref<32x200x50xi32, #tpu.memory_space<hbm>> -> memref<1x200x50xi32, #tpu.memory_space<hbm>>
      %dma_wait3A_46 = tpu.memref_squeeze %dma_wait3A_45 : memref<1x200x50xi32, #tpu.memory_space<hbm>> -> memref<200x50xi32, #tpu.memory_space<hbm>>
      tpu.wait_dma2 semaphore(%run_scoped3A : memref<!tpu.dma_semaphore, #tpu.memory_space<semaphore_mem>>) src(%dma_wait3A_46 : memref<200x50xi32, #tpu.memory_space<hbm>>) dst(%arg7 : memref<200x50xi32, #tpu.memory_space<vmem>>)
      tpu.yield
    }) : () -> ()
    "tpu.region"() ({
      %run_scoped3A = tpu.sem_alloc : memref<!tpu.dma_semaphore, #tpu.memory_space<semaphore_mem>>
      %dma_start3A_32 = arith.constant 0 : i32
      %dma_start3A_33 = arith.constant 0 : i32
      %dma_start3A_34 = tpu.memref_slice %arg4[%add3A, %dma_start3A_32, %dma_start3A_33] : memref<32x200x50xi32, #tpu.memory_space<hbm>> -> memref<1x200x50xi32, #tpu.memory_space<hbm>>
      %dma_start3A_35 = tpu.memref_squeeze %dma_start3A_34 : memref<1x200x50xi32, #tpu.memory_space<hbm>> -> memref<200x50xi32, #tpu.memory_space<hbm>>
      %dma_start3A_36 = arith.constant 0 : i32
      %dma_start3A_37 = arith.constant 0 : i32
      %dma_start3A_38 = tpu.memref_slice %arg4[%add3A, %dma_start3A_36, %dma_start3A_37] : memref<32x200x50xi32, #tpu.memory_space<hbm>> -> memref<1x200x50xi32, #tpu.memory_space<hbm>>
      %dma_start3A_39 = tpu.memref_squeeze %dma_start3A_38 : memref<1x200x50xi32, #tpu.memory_space<hbm>> -> memref<200x50xi32, #tpu.memory_space<hbm>>
      tpu.enqueue_dma source(%dma_start3A_39 : memref<200x50xi32, #tpu.memory_space<hbm>>) target(%arg8 : memref<200x50xi32, #tpu.memory_space<vmem>>) target_semaphore(%run_scoped3A : memref<!tpu.dma_semaphore, #tpu.memory_space<semaphore_mem>>)
      %dma_wait3A = arith.constant 0 : i32
      %dma_wait3A_40 = arith.constant 0 : i32
      %dma_wait3A_41 = tpu.memref_slice %arg4[%add3A, %dma_wait3A, %dma_wait3A_40] : memref<32x200x50xi32, #tpu.memory_space<hbm>> -> memref<1x200x50xi32, #tpu.memory_space<hbm>>
      %dma_wait3A_42 = tpu.memref_squeeze %dma_wait3A_41 : memref<1x200x50xi32, #tpu.memory_space<hbm>> -> memref<200x50xi32, #tpu.memory_space<hbm>>
      %dma_wait3A_43 = arith.constant 0 : i32
      %dma_wait3A_44 = arith.constant 0 : i32
      %dma_wait3A_45 = tpu.memref_slice %arg4[%add3A, %dma_wait3A_43, %dma_wait3A_44] : memref<32x200x50xi32, #tpu.memory_space<hbm>> -> memref<1x200x50xi32, #tpu.memory_space<hbm>>
      %dma_wait3A_46 = tpu.memref_squeeze %dma_wait3A_45 : memref<1x200x50xi32, #tpu.memory_space<hbm>> -> memref<200x50xi32, #tpu.memory_space<hbm>>
      tpu.wait_dma2 semaphore(%run_scoped3A : memref<!tpu.dma_semaphore, #tpu.memory_space<semaphore_mem>>) src(%dma_wait3A_46 : memref<200x50xi32, #tpu.memory_space<hbm>>) dst(%arg8 : memref<200x50xi32, #tpu.memory_space<vmem>>)
      tpu.yield
    }) : () -> ()
    "tpu.region"() ({
      %run_scoped3A = tpu.sem_alloc : memref<!tpu.dma_semaphore, #tpu.memory_space<semaphore_mem>>
      %dma_start3A_32 = arith.constant 0 : i32
      %dma_start3A_33 = tpu.memref_slice %arg13[%mul3A_2, %dma_start3A_32] : memref<10112x128xf32, #tpu.memory_space<vmem_shared>> -> memref<632x128xf32, #tpu.memory_space<vmem_shared>>
      %dma_start3A_34 = arith.constant 0 : i32
      %dma_start3A_35 = tpu.memref_slice %arg5[%mul3A_2, %dma_start3A_34] : memref<10112x128xf32, #tpu.memory_space<hbm>> -> memref<632x128xf32, #tpu.memory_space<hbm>>
      tpu.enqueue_dma source(%dma_start3A_35 : memref<632x128xf32, #tpu.memory_space<hbm>>) target(%dma_start3A_33 : memref<632x128xf32, #tpu.memory_space<vmem_shared>>) target_semaphore(%run_scoped3A : memref<!tpu.dma_semaphore, #tpu.memory_space<semaphore_mem>>)
      %dma_wait3A = arith.constant 0 : i32
      %dma_wait3A_36 = tpu.memref_slice %arg13[%mul3A_2, %dma_wait3A] : memref<10112x128xf32, #tpu.memory_space<vmem_shared>> -> memref<632x128xf32, #tpu.memory_space<vmem_shared>>
      %dma_wait3A_37 = arith.constant 0 : i32
      %dma_wait3A_38 = tpu.memref_slice %arg5[%mul3A_2, %dma_wait3A_37] : memref<10112x128xf32, #tpu.memory_space<hbm>> -> memref<632x128xf32, #tpu.memory_space<hbm>>
      tpu.wait_dma2 semaphore(%run_scoped3A : memref<!tpu.dma_semaphore, #tpu.memory_space<semaphore_mem>>) src(%dma_wait3A_38 : memref<632x128xf32, #tpu.memory_space<hbm>>) dst(%dma_wait3A_36 : memref<632x128xf32, #tpu.memory_space<vmem_shared>>)
      tpu.yield
    }) : () -> ()
    %barrier3A = arith.constant 0 : index
    tpu.barrier barrier_id(%barrier3A)
    %dma_start3A = arith.constant 0 : i32
    %dma_start3A_3 = arith.constant 0 : i32
    %dma_start3A_4 = tpu.memref_slice %arg7[%dma_start3A, %dma_start3A_3] : memref<200x50xi32, #tpu.memory_space<vmem>> -> memref<1x50xi32, #tpu.memory_space<vmem>>
    %dma_start3A_5 = tpu.memref_squeeze %dma_start3A_4 : memref<1x50xi32, #tpu.memory_space<vmem>> -> memref<50xi32, #tpu.memory_space<vmem>>
    %dma_start3A_6 = arith.constant 0 : i32
    %dma_start3A_7 = arith.constant 0 : i32
    %dma_start3A_8 = tpu.memref_slice %arg2[%dma_start3A_6, %dma_start3A_7] : memref<10112x128xf32, #tpu.memory_space<hbm>> -> memref<10112x128xf32, #tpu.memory_space<hbm>>
    tpu.enqueue_indirect_dma source(%dma_start3A_8 : memref<10112x128xf32, #tpu.memory_space<hbm>>) target(%arg9 : memref<50x128xf32, #tpu.memory_space<vmem>>) offsets(%dma_start3A_5 : memref<50xi32, #tpu.memory_space<vmem>>) semaphore(%arg14 : memref<!tpu.dma_semaphore, #tpu.memory_space<semaphore_mem>>)
    %dma_start3A_9 = arith.constant 1 : i32
    %dma_start3A_10 = arith.constant 0 : i32
    %dma_start3A_11 = tpu.memref_slice %arg7[%dma_start3A_9, %dma_start3A_10] : memref<200x50xi32, #tpu.memory_space<vmem>> -> memref<1x50xi32, #tpu.memory_space<vmem>>
    %dma_start3A_12 = tpu.memref_squeeze %dma_start3A_11 : memref<1x50xi32, #tpu.memory_space<vmem>> -> memref<50xi32, #tpu.memory_space<vmem>>
    %dma_start3A_13 = arith.constant 0 : i32
    %dma_start3A_14 = arith.constant 0 : i32
    %dma_start3A_15 = tpu.memref_slice %arg2[%dma_start3A_13, %dma_start3A_14] : memref<10112x128xf32, #tpu.memory_space<hbm>> -> memref<10112x128xf32, #tpu.memory_space<hbm>>
    tpu.enqueue_indirect_dma source(%dma_start3A_15 : memref<10112x128xf32, #tpu.memory_space<hbm>>) target(%arg10 : memref<50x128xf32, #tpu.memory_space<vmem>>) offsets(%dma_start3A_12 : memref<50xi32, #tpu.memory_space<vmem>>) semaphore(%arg15 : memref<!tpu.dma_semaphore, #tpu.memory_space<semaphore_mem>>)
    %dma_start3A_16 = arith.constant 2 : i32
    %dma_start3A_17 = arith.constant 0 : i32
    %dma_start3A_18 = tpu.memref_slice %arg7[%dma_start3A_16, %dma_start3A_17] : memref<200x50xi32, #tpu.memory_space<vmem>> -> memref<1x50xi32, #tpu.memory_space<vmem>>
    %dma_start3A_19 = tpu.memref_squeeze %dma_start3A_18 : memref<1x50xi32, #tpu.memory_space<vmem>> -> memref<50xi32, #tpu.memory_space<vmem>>
    %dma_start3A_20 = arith.constant 0 : i32
    %dma_start3A_21 = arith.constant 0 : i32
    %dma_start3A_22 = tpu.memref_slice %arg2[%dma_start3A_20, %dma_start3A_21] : memref<10112x128xf32, #tpu.memory_space<hbm>> -> memref<10112x128xf32, #tpu.memory_space<hbm>>
    tpu.enqueue_indirect_dma source(%dma_start3A_22 : memref<10112x128xf32, #tpu.memory_space<hbm>>) target(%arg11 : memref<50x128xf32, #tpu.memory_space<vmem>>) offsets(%dma_start3A_19 : memref<50xi32, #tpu.memory_space<vmem>>) semaphore(%arg16 : memref<!tpu.dma_semaphore, #tpu.memory_space<semaphore_mem>>)
    %scan3A = arith.constant 0 : i32
    %scan3A_23 = arith.constant 0 : i32
    %scan3A_24 = arith.constant 50 : i32
    %scan3A_25 = arith.addi %scan3A_23, %scan3A_24 : i32
    %scan3A_26 = arith.constant 1 : i32
    scf.for %scan3A_32 = %scan3A_23 to %scan3A_25 step %scan3A_26  : i32 {
      %mul3A_33 = arith.constant 4 : i32
      %mul3A_34 = arith.muli %mul3A_33, %scan3A_32 : i32
      %add3A_35 = arith.constant 1 : i32
      %add3A_36 = arith.addi %mul3A_34, %add3A_35 : i32
      %add3A_37 = arith.constant 2 : i32
      %add3A_38 = arith.addi %mul3A_34, %add3A_37 : i32
      %add3A_39 = arith.constant 3 : i32
      %add3A_40 = arith.addi %mul3A_34, %add3A_39 : i32
      %dma_wait3A = arith.constant 0 : i32
      %dma_wait3A_41 = tpu.memref_slice %arg7[%mul3A_34, %dma_wait3A] : memref<200x50xi32, #tpu.memory_space<vmem>> -> memref<1x50xi32, #tpu.memory_space<vmem>>
      %dma_wait3A_42 = tpu.memref_squeeze %dma_wait3A_41 : memref<1x50xi32, #tpu.memory_space<vmem>> -> memref<50xi32, #tpu.memory_space<vmem>>
      %dma_wait3A_43 = arith.constant 0 : i32
      %dma_wait3A_44 = arith.constant 0 : i32
      %dma_wait3A_45 = tpu.memref_slice %arg2[%dma_wait3A_43, %dma_wait3A_44] : memref<10112x128xf32, #tpu.memory_space<hbm>> -> memref<10112x128xf32, #tpu.memory_space<hbm>>
      tpu.wait_indirect_dma semaphore(%arg14 : memref<!tpu.dma_semaphore, #tpu.memory_space<semaphore_mem>>) src(%dma_wait3A_45 : memref<10112x128xf32, #tpu.memory_space<hbm>>) dst(%arg9 : memref<50x128xf32, #tpu.memory_space<vmem>>)
      %dma_start3A_46 = arith.constant 0 : i32
      %dma_start3A_47 = tpu.memref_slice %arg8[%mul3A_34, %dma_start3A_46] : memref<200x50xi32, #tpu.memory_space<vmem>> -> memref<1x50xi32, #tpu.memory_space<vmem>>
      %dma_start3A_48 = tpu.memref_squeeze %dma_start3A_47 : memref<1x50xi32, #tpu.memory_space<vmem>> -> memref<50xi32, #tpu.memory_space<vmem>>
      %dma_start3A_49 = arith.constant 0 : i32
      %dma_start3A_50 = arith.constant 0 : i32
      %dma_start3A_51 = tpu.memref_slice %arg13[%dma_start3A_49, %dma_start3A_50] : memref<10112x128xf32, #tpu.memory_space<vmem_shared>> -> memref<10112x128xf32, #tpu.memory_space<vmem_shared>>
      tpu.enqueue_indirect_dma source(%arg9 : memref<50x128xf32, #tpu.memory_space<vmem>>) target(%dma_start3A_51 : memref<10112x128xf32, #tpu.memory_space<vmem_shared>>) offsets(%dma_start3A_48 : memref<50xi32, #tpu.memory_space<vmem>>) semaphore(%arg18 : memref<!tpu.dma_semaphore, #tpu.memory_space<semaphore_mem>>) {add = true}
      %dma_start3A_52 = arith.constant 0 : i32
      %dma_start3A_53 = tpu.memref_slice %arg7[%add3A_40, %dma_start3A_52] : memref<200x50xi32, #tpu.memory_space<vmem>> -> memref<1x50xi32, #tpu.memory_space<vmem>>
      %dma_start3A_54 = tpu.memref_squeeze %dma_start3A_53 : memref<1x50xi32, #tpu.memory_space<vmem>> -> memref<50xi32, #tpu.memory_space<vmem>>
      %dma_start3A_55 = arith.constant 0 : i32
      %dma_start3A_56 = arith.constant 0 : i32
      %dma_start3A_57 = tpu.memref_slice %arg2[%dma_start3A_55, %dma_start3A_56] : memref<10112x128xf32, #tpu.memory_space<hbm>> -> memref<10112x128xf32, #tpu.memory_space<hbm>>
      tpu.enqueue_indirect_dma source(%dma_start3A_57 : memref<10112x128xf32, #tpu.memory_space<hbm>>) target(%arg12 : memref<50x128xf32, #tpu.memory_space<vmem>>) offsets(%dma_start3A_54 : memref<50xi32, #tpu.memory_space<vmem>>) semaphore(%arg17 : memref<!tpu.dma_semaphore, #tpu.memory_space<semaphore_mem>>)
      %dma_wait3A_58 = arith.constant 0 : i32
      %dma_wait3A_59 = tpu.memref_slice %arg7[%add3A_36, %dma_wait3A_58] : memref<200x50xi32, #tpu.memory_space<vmem>> -> memref<1x50xi32, #tpu.memory_space<vmem>>
      %dma_wait3A_60 = tpu.memref_squeeze %dma_wait3A_59 : memref<1x50xi32, #tpu.memory_space<vmem>> -> memref<50xi32, #tpu.memory_space<vmem>>
      %dma_wait3A_61 = arith.constant 0 : i32
      %dma_wait3A_62 = arith.constant 0 : i32
      %dma_wait3A_63 = tpu.memref_slice %arg2[%dma_wait3A_61, %dma_wait3A_62] : memref<10112x128xf32, #tpu.memory_space<hbm>> -> memref<10112x128xf32, #tpu.memory_space<hbm>>
      tpu.wait_indirect_dma semaphore(%arg15 : memref<!tpu.dma_semaphore, #tpu.memory_space<semaphore_mem>>) src(%dma_wait3A_63 : memref<10112x128xf32, #tpu.memory_space<hbm>>) dst(%arg10 : memref<50x128xf32, #tpu.memory_space<vmem>>)
      %dma_wait3A_64 = arith.constant 0 : i32
      %dma_wait3A_65 = tpu.memref_slice %arg8[%mul3A_34, %dma_wait3A_64] : memref<200x50xi32, #tpu.memory_space<vmem>> -> memref<1x50xi32, #tpu.memory_space<vmem>>
      %dma_wait3A_66 = tpu.memref_squeeze %dma_wait3A_65 : memref<1x50xi32, #tpu.memory_space<vmem>> -> memref<50xi32, #tpu.memory_space<vmem>>
      %dma_wait3A_67 = arith.constant 0 : i32
      %dma_wait3A_68 = arith.constant 0 : i32
      %dma_wait3A_69 = tpu.memref_slice %arg13[%dma_wait3A_67, %dma_wait3A_68] : memref<10112x128xf32, #tpu.memory_space<vmem_shared>> -> memref<10112x128xf32, #tpu.memory_space<vmem_shared>>
      tpu.wait_indirect_dma semaphore(%arg18 : memref<!tpu.dma_semaphore, #tpu.memory_space<semaphore_mem>>) src(%arg9 : memref<50x128xf32, #tpu.memory_space<vmem>>) dst(%dma_wait3A_69 : memref<10112x128xf32, #tpu.memory_space<vmem_shared>>)
      %dma_start3A_70 = arith.constant 0 : i32
      %dma_start3A_71 = tpu.memref_slice %arg8[%add3A_36, %dma_start3A_70] : memref<200x50xi32, #tpu.memory_space<vmem>> -> memref<1x50xi32, #tpu.memory_space<vmem>>
      %dma_start3A_72 = tpu.memref_squeeze %dma_start3A_71 : memref<1x50xi32, #tpu.memory_space<vmem>> -> memref<50xi32, #tpu.memory_space<vmem>>
      %dma_start3A_73 = arith.constant 0 : i32
      %dma_start3A_74 = arith.constant 0 : i32
      %dma_start3A_75 = tpu.memref_slice %arg13[%dma_start3A_73, %dma_start3A_74] : memref<10112x128xf32, #tpu.memory_space<vmem_shared>> -> memref<10112x128xf32, #tpu.memory_space<vmem_shared>>
      tpu.enqueue_indirect_dma source(%arg10 : memref<50x128xf32, #tpu.memory_space<vmem>>) target(%dma_start3A_75 : memref<10112x128xf32, #tpu.memory_space<vmem_shared>>) offsets(%dma_start3A_72 : memref<50xi32, #tpu.memory_space<vmem>>) semaphore(%arg18 : memref<!tpu.dma_semaphore, #tpu.memory_space<semaphore_mem>>) {add = true}
      %lt3A = arith.constant 49 : i32
      %lt3A_76 = arith.cmpi slt, %scan3A_32, %lt3A : i32
      %convert_element_type3A = arith.extui %lt3A_76 : i1 to i32
      %cond3A = arith.constant 0 : i32
      %cond3A_77 = arith.cmpi ne, %convert_element_type3A, %cond3A : i32
      scf.if %cond3A_77 {
        %add3A_130 = arith.constant 4 : i32
        %add3A_131 = arith.addi %mul3A_34, %add3A_130 : i32
        %dma_start3A_132 = arith.constant 0 : i32
        %dma_start3A_133 = tpu.memref_slice %arg7[%add3A_131, %dma_start3A_132] : memref<200x50xi32, #tpu.memory_space<vmem>> -> memref<1x50xi32, #tpu.memory_space<vmem>>
        %dma_start3A_134 = tpu.memref_squeeze %dma_start3A_133 : memref<1x50xi32, #tpu.memory_space<vmem>> -> memref<50xi32, #tpu.memory_space<vmem>>
        %dma_start3A_135 = arith.constant 0 : i32
        %dma_start3A_136 = arith.constant 0 : i32
        %dma_start3A_137 = tpu.memref_slice %arg2[%dma_start3A_135, %dma_start3A_136] : memref<10112x128xf32, #tpu.memory_space<hbm>> -> memref<10112x128xf32, #tpu.memory_space<hbm>>
        tpu.enqueue_indirect_dma source(%dma_start3A_137 : memref<10112x128xf32, #tpu.memory_space<hbm>>) target(%arg9 : memref<50x128xf32, #tpu.memory_space<vmem>>) offsets(%dma_start3A_134 : memref<50xi32, #tpu.memory_space<vmem>>) semaphore(%arg14 : memref<!tpu.dma_semaphore, #tpu.memory_space<semaphore_mem>>)
      } else {
      }
      %dma_wait3A_78 = arith.constant 0 : i32
      %dma_wait3A_79 = tpu.memref_slice %arg7[%add3A_38, %dma_wait3A_78] : memref<200x50xi32, #tpu.memory_space<vmem>> -> memref<1x50xi32, #tpu.memory_space<vmem>>
      %dma_wait3A_80 = tpu.memref_squeeze %dma_wait3A_79 : memref<1x50xi32, #tpu.memory_space<vmem>> -> memref<50xi32, #tpu.memory_space<vmem>>
      %dma_wait3A_81 = arith.constant 0 : i32
      %dma_wait3A_82 = arith.constant 0 : i32
      %dma_wait3A_83 = tpu.memref_slice %arg2[%dma_wait3A_81, %dma_wait3A_82] : memref<10112x128xf32, #tpu.memory_space<hbm>> -> memref<10112x128xf32, #tpu.memory_space<hbm>>
      tpu.wait_indirect_dma semaphore(%arg16 : memref<!tpu.dma_semaphore, #tpu.memory_space<semaphore_mem>>) src(%dma_wait3A_83 : memref<10112x128xf32, #tpu.memory_space<hbm>>) dst(%arg11 : memref<50x128xf32, #tpu.memory_space<vmem>>)
      %dma_wait3A_84 = arith.constant 0 : i32
      %dma_wait3A_85 = tpu.memref_slice %arg8[%add3A_36, %dma_wait3A_84] : memref<200x50xi32, #tpu.memory_space<vmem>> -> memref<1x50xi32, #tpu.memory_space<vmem>>
      %dma_wait3A_86 = tpu.memref_squeeze %dma_wait3A_85 : memref<1x50xi32, #tpu.memory_space<vmem>> -> memref<50xi32, #tpu.memory_space<vmem>>
      %dma_wait3A_87 = arith.constant 0 : i32
      %dma_wait3A_88 = arith.constant 0 : i32
      %dma_wait3A_89 = tpu.memref_slice %arg13[%dma_wait3A_87, %dma_wait3A_88] : memref<10112x128xf32, #tpu.memory_space<vmem_shared>> -> memref<10112x128xf32, #tpu.memory_space<vmem_shared>>
      tpu.wait_indirect_dma semaphore(%arg18 : memref<!tpu.dma_semaphore, #tpu.memory_space<semaphore_mem>>) src(%arg10 : memref<50x128xf32, #tpu.memory_space<vmem>>) dst(%dma_wait3A_89 : memref<10112x128xf32, #tpu.memory_space<vmem_shared>>)
      %dma_start3A_90 = arith.constant 0 : i32
      %dma_start3A_91 = tpu.memref_slice %arg8[%add3A_38, %dma_start3A_90] : memref<200x50xi32, #tpu.memory_space<vmem>> -> memref<1x50xi32, #tpu.memory_space<vmem>>
      %dma_start3A_92 = tpu.memref_squeeze %dma_start3A_91 : memref<1x50xi32, #tpu.memory_space<vmem>> -> memref<50xi32, #tpu.memory_space<vmem>>
      %dma_start3A_93 = arith.constant 0 : i32
      %dma_start3A_94 = arith.constant 0 : i32
      %dma_start3A_95 = tpu.memref_slice %arg13[%dma_start3A_93, %dma_start3A_94] : memref<10112x128xf32, #tpu.memory_space<vmem_shared>> -> memref<10112x128xf32, #tpu.memory_space<vmem_shared>>
      tpu.enqueue_indirect_dma source(%arg11 : memref<50x128xf32, #tpu.memory_space<vmem>>) target(%dma_start3A_95 : memref<10112x128xf32, #tpu.memory_space<vmem_shared>>) offsets(%dma_start3A_92 : memref<50xi32, #tpu.memory_space<vmem>>) semaphore(%arg18 : memref<!tpu.dma_semaphore, #tpu.memory_space<semaphore_mem>>) {add = true}
      %lt3A_96 = arith.constant 49 : i32
      %lt3A_97 = arith.cmpi slt, %scan3A_32, %lt3A_96 : i32
      %convert_element_type3A_98 = arith.extui %lt3A_97 : i1 to i32
      %cond3A_99 = arith.constant 0 : i32
      %cond3A_100 = arith.cmpi ne, %convert_element_type3A_98, %cond3A_99 : i32
      scf.if %cond3A_100 {
        %add3A_130 = arith.constant 4 : i32
        %add3A_131 = arith.addi %add3A_36, %add3A_130 : i32
        %dma_start3A_132 = arith.constant 0 : i32
        %dma_start3A_133 = tpu.memref_slice %arg7[%add3A_131, %dma_start3A_132] : memref<200x50xi32, #tpu.memory_space<vmem>> -> memref<1x50xi32, #tpu.memory_space<vmem>>
        %dma_start3A_134 = tpu.memref_squeeze %dma_start3A_133 : memref<1x50xi32, #tpu.memory_space<vmem>> -> memref<50xi32, #tpu.memory_space<vmem>>
        %dma_start3A_135 = arith.constant 0 : i32
        %dma_start3A_136 = arith.constant 0 : i32
        %dma_start3A_137 = tpu.memref_slice %arg2[%dma_start3A_135, %dma_start3A_136] : memref<10112x128xf32, #tpu.memory_space<hbm>> -> memref<10112x128xf32, #tpu.memory_space<hbm>>
        tpu.enqueue_indirect_dma source(%dma_start3A_137 : memref<10112x128xf32, #tpu.memory_space<hbm>>) target(%arg10 : memref<50x128xf32, #tpu.memory_space<vmem>>) offsets(%dma_start3A_134 : memref<50xi32, #tpu.memory_space<vmem>>) semaphore(%arg15 : memref<!tpu.dma_semaphore, #tpu.memory_space<semaphore_mem>>)
      } else {
      }
      %dma_wait3A_101 = arith.constant 0 : i32
      %dma_wait3A_102 = tpu.memref_slice %arg7[%add3A_40, %dma_wait3A_101] : memref<200x50xi32, #tpu.memory_space<vmem>> -> memref<1x50xi32, #tpu.memory_space<vmem>>
      %dma_wait3A_103 = tpu.memref_squeeze %dma_wait3A_102 : memref<1x50xi32, #tpu.memory_space<vmem>> -> memref<50xi32, #tpu.memory_space<vmem>>
      %dma_wait3A_104 = arith.constant 0 : i32
      %dma_wait3A_105 = arith.constant 0 : i32
      %dma_wait3A_106 = tpu.memref_slice %arg2[%dma_wait3A_104, %dma_wait3A_105] : memref<10112x128xf32, #tpu.memory_space<hbm>> -> memref<10112x128xf32, #tpu.memory_space<hbm>>
      tpu.wait_indirect_dma semaphore(%arg17 : memref<!tpu.dma_semaphore, #tpu.memory_space<semaphore_mem>>) src(%dma_wait3A_106 : memref<10112x128xf32, #tpu.memory_space<hbm>>) dst(%arg12 : memref<50x128xf32, #tpu.memory_space<vmem>>)
      %dma_wait3A_107 = arith.constant 0 : i32
      %dma_wait3A_108 = tpu.memref_slice %arg8[%add3A_38, %dma_wait3A_107] : memref<200x50xi32, #tpu.memory_space<vmem>> -> memref<1x50xi32, #tpu.memory_space<vmem>>
      %dma_wait3A_109 = tpu.memref_squeeze %dma_wait3A_108 : memref<1x50xi32, #tpu.memory_space<vmem>> -> memref<50xi32, #tpu.memory_space<vmem>>
      %dma_wait3A_110 = arith.constant 0 : i32
      %dma_wait3A_111 = arith.constant 0 : i32
      %dma_wait3A_112 = tpu.memref_slice %arg13[%dma_wait3A_110, %dma_wait3A_111] : memref<10112x128xf32, #tpu.memory_space<vmem_shared>> -> memref<10112x128xf32, #tpu.memory_space<vmem_shared>>
      tpu.wait_indirect_dma semaphore(%arg18 : memref<!tpu.dma_semaphore, #tpu.memory_space<semaphore_mem>>) src(%arg11 : memref<50x128xf32, #tpu.memory_space<vmem>>) dst(%dma_wait3A_112 : memref<10112x128xf32, #tpu.memory_space<vmem_shared>>)
      %dma_start3A_113 = arith.constant 0 : i32
      %dma_start3A_114 = tpu.memref_slice %arg8[%add3A_40, %dma_start3A_113] : memref<200x50xi32, #tpu.memory_space<vmem>> -> memref<1x50xi32, #tpu.memory_space<vmem>>
      %dma_start3A_115 = tpu.memref_squeeze %dma_start3A_114 : memref<1x50xi32, #tpu.memory_space<vmem>> -> memref<50xi32, #tpu.memory_space<vmem>>
      %dma_start3A_116 = arith.constant 0 : i32
      %dma_start3A_117 = arith.constant 0 : i32
      %dma_start3A_118 = tpu.memref_slice %arg13[%dma_start3A_116, %dma_start3A_117] : memref<10112x128xf32, #tpu.memory_space<vmem_shared>> -> memref<10112x128xf32, #tpu.memory_space<vmem_shared>>
      tpu.enqueue_indirect_dma source(%arg12 : memref<50x128xf32, #tpu.memory_space<vmem>>) target(%dma_start3A_118 : memref<10112x128xf32, #tpu.memory_space<vmem_shared>>) offsets(%dma_start3A_115 : memref<50xi32, #tpu.memory_space<vmem>>) semaphore(%arg18 : memref<!tpu.dma_semaphore, #tpu.memory_space<semaphore_mem>>) {add = true}
      %lt3A_119 = arith.constant 49 : i32
      %lt3A_120 = arith.cmpi slt, %scan3A_32, %lt3A_119 : i32
      %convert_element_type3A_121 = arith.extui %lt3A_120 : i1 to i32
      %cond3A_122 = arith.constant 0 : i32
      %cond3A_123 = arith.cmpi ne, %convert_element_type3A_121, %cond3A_122 : i32
      scf.if %cond3A_123 {
        %add3A_130 = arith.constant 4 : i32
        %add3A_131 = arith.addi %add3A_38, %add3A_130 : i32
        %dma_start3A_132 = arith.constant 0 : i32
        %dma_start3A_133 = tpu.memref_slice %arg7[%add3A_131, %dma_start3A_132] : memref<200x50xi32, #tpu.memory_space<vmem>> -> memref<1x50xi32, #tpu.memory_space<vmem>>
        %dma_start3A_134 = tpu.memref_squeeze %dma_start3A_133 : memref<1x50xi32, #tpu.memory_space<vmem>> -> memref<50xi32, #tpu.memory_space<vmem>>
        %dma_start3A_135 = arith.constant 0 : i32
        %dma_start3A_136 = arith.constant 0 : i32
        %dma_start3A_137 = tpu.memref_slice %arg2[%dma_start3A_135, %dma_start3A_136] : memref<10112x128xf32, #tpu.memory_space<hbm>> -> memref<10112x128xf32, #tpu.memory_space<hbm>>
        tpu.enqueue_indirect_dma source(%dma_start3A_137 : memref<10112x128xf32, #tpu.memory_space<hbm>>) target(%arg11 : memref<50x128xf32, #tpu.memory_space<vmem>>) offsets(%dma_start3A_134 : memref<50xi32, #tpu.memory_space<vmem>>) semaphore(%arg16 : memref<!tpu.dma_semaphore, #tpu.memory_space<semaphore_mem>>)
      } else {
      }
      %dma_wait3A_124 = arith.constant 0 : i32
      %dma_wait3A_125 = tpu.memref_slice %arg8[%add3A_40, %dma_wait3A_124] : memref<200x50xi32, #tpu.memory_space<vmem>> -> memref<1x50xi32, #tpu.memory_space<vmem>>
      %dma_wait3A_126 = tpu.memref_squeeze %dma_wait3A_125 : memref<1x50xi32, #tpu.memory_space<vmem>> -> memref<50xi32, #tpu.memory_space<vmem>>
      %dma_wait3A_127 = arith.constant 0 : i32
      %dma_wait3A_128 = arith.constant 0 : i32
      %dma_wait3A_129 = tpu.memref_slice %arg13[%dma_wait3A_127, %dma_wait3A_128] : memref<10112x128xf32, #tpu.memory_space<vmem_shared>> -> memref<10112x128xf32, #tpu.memory_space<vmem_shared>>
      tpu.wait_indirect_dma semaphore(%arg18 : memref<!tpu.dma_semaphore, #tpu.memory_space<semaphore_mem>>) src(%arg12 : memref<50x128xf32, #tpu.memory_space<vmem>>) dst(%dma_wait3A_129 : memref<10112x128xf32, #tpu.memory_space<vmem_shared>>)
    }
    %scan3A_27 = arith.constant 50 : i32
    %barrier3A_28 = arith.constant 0 : index
    tpu.barrier barrier_id(%barrier3A_28)
    %mul3A_29 = arith.constant 10112 : i32
    %mul3A_30 = arith.muli %arg0, %mul3A_29 : i32
    %add3A_31 = arith.addi %mul3A_30, %mul3A_2 : i32
    "tpu.region"() ({
      %run_scoped3A = tpu.sem_alloc : memref<!tpu.dma_semaphore, #tpu.memory_space<semaphore_mem>>
      %dma_start3A_32 = arith.constant 0 : i32
      %dma_start3A_33 = tpu.memref_slice %arg6[%add3A_31, %dma_start3A_32] : memref<20224x128xf32, #tpu.memory_space<hbm>> -> memref<632x128xf32, #tpu.memory_space<hbm>>
      %dma_start3A_34 = arith.constant 0 : i32
      %dma_start3A_35 = tpu.memref_slice %arg13[%mul3A_2, %dma_start3A_34] : memref<10112x128xf32, #tpu.memory_space<vmem_shared>> -> memref<632x128xf32, #tpu.memory_space<vmem_shared>>
      tpu.enqueue_dma source(%dma_start3A_35 : memref<632x128xf32, #tpu.memory_space<vmem_shared>>) target(%dma_start3A_33 : memref<632x128xf32, #tpu.memory_space<hbm>>) target_semaphore(%run_scoped3A : memref<!tpu.dma_semaphore, #tpu.memory_space<semaphore_mem>>)
      %dma_wait3A = arith.constant 0 : i32
      %dma_wait3A_36 = tpu.memref_slice %arg6[%add3A_31, %dma_wait3A] : memref<20224x128xf32, #tpu.memory_space<hbm>> -> memref<632x128xf32, #tpu.memory_space<hbm>>
      %dma_wait3A_37 = arith.constant 0 : i32
      %dma_wait3A_38 = tpu.memref_slice %arg13[%mul3A_2, %dma_wait3A_37] : memref<10112x128xf32, #tpu.memory_space<vmem_shared>> -> memref<632x128xf32, #tpu.memory_space<vmem_shared>>
      tpu.wait_dma2 semaphore(%run_scoped3A : memref<!tpu.dma_semaphore, #tpu.memory_space<semaphore_mem>>) src(%dma_wait3A_38 : memref<632x128xf32, #tpu.memory_space<vmem_shared>>) dst(%dma_wait3A_36 : memref<632x128xf32, #tpu.memory_space<hbm>>)
      tpu.yield
    }) : () -> ()
    return
  }
}

module attributes {stable_mosaic.version = 14 : i64} {
  func.func @_scale_mm_body(%arg0: i32, %arg1: memref<1264x128xf32, #tpu.memory_space<vmem>>, %arg2: memref<128x128xf32, #tpu.memory_space<vmem>>, %arg3: memref<1264x16xf32, #tpu.memory_space<vmem>>, %arg4: memref<1264x16xf32, #tpu.memory_space<vmem>>, %arg5: memref<1264x128xf32, #tpu.memory_space<vmem>>) attributes {dimension_semantics = [#tpu.dimension_semantics<arbitrary>], iteration_bounds = array<i64: 8>, scalar_prefetch = 0 : i64, scratch_operands = 0 : i64, tpu.core_type = #tpu.core_type<tc>, window_params = [{transform_indices = @transform_0, window_bounds = array<i64: 1264, 128>}, {pipeline_mode = #tpu.pipeline_mode<synchronous>, transform_indices = @transform_1, window_bounds = array<i64: 128, 128>}, {transform_indices = @transform_2, window_bounds = array<i64: 1264, 16>}, {transform_indices = @transform_3, window_bounds = array<i64: 1264, 16>}, {transform_indices = @transform_4, window_bounds = array<i64: 1264, 128>}]} {
    %get3A = arith.constant 0 : index
    %get3A_0 = arith.constant 0 : index
    %get3A_1 = vector.load %arg3[%get3A, %get3A_0] : memref<1264x16xf32, #tpu.memory_space<vmem>>, vector<1264x1xf32>
    %get3A_2 = arith.constant 0 : index
    %get3A_3 = arith.constant 0 : index
    %get3A_4 = vector.load %arg4[%get3A_2, %get3A_3] : memref<1264x16xf32, #tpu.memory_space<vmem>>, vector<1264x1xf32>
    %add3A = arith.addf %get3A_1, %get3A_4 : vector<1264x1xf32>
    %sub3A = arith.constant 1.000000e+00 : f32
    %sub3A_5 = vector.broadcast %sub3A : f32 to vector<1264x1xf32>
    %sub3A_6 = arith.subf %add3A, %sub3A_5 : vector<1264x1xf32>
    %rsqrt3A = math.rsqrt %sub3A_6 : vector<1264x1xf32>
    %get3A_7 = arith.constant 0 : index
    %get3A_8 = arith.constant 0 : index
    %get3A_9 = vector.load %arg1[%get3A_7, %get3A_8] : memref<1264x128xf32, #tpu.memory_space<vmem>>, vector<1264x128xf32>
    %get3A_10 = arith.constant 0 : index
    %get3A_11 = arith.constant 0 : index
    %get3A_12 = vector.load %arg2[%get3A_10, %get3A_11] : memref<128x128xf32, #tpu.memory_space<vmem>>, vector<128x128xf32>
    %dot_general3A = arith.constant dense<0.000000e+00> : vector<1264x128xf32>
    %dot_general3A_13 = tpu.matmul %get3A_9, %get3A_12, %dot_general3A {dimension_numbers = #tpu.dot_dimension_numbers<[1], [0], [0], [1], [0, 0, 1, 1], [], []>, transpose_lhs_hint = false} : vector<1264x128xf32>, vector<128x128xf32>, vector<1264x128xf32> -> vector<1264x128xf32>
    %mul3A = vector.broadcast %rsqrt3A : vector<1264x1xf32> to vector<1264x128xf32>
    %mul3A_14 = arith.mulf %dot_general3A_13, %mul3A : vector<1264x128xf32>
    %swap3A = arith.constant 0 : index
    %swap3A_15 = arith.constant 0 : index
    %swap3A_16 = vector.load %arg5[%swap3A, %swap3A_15] : memref<1264x128xf32, #tpu.memory_space<vmem>>, vector<1264x128xf32>
    tpu.vector_store %arg5[%swap3A, %swap3A_15], %mul3A_14 {strides = array<i32>} : memref<1264x128xf32, #tpu.memory_space<vmem>>, vector<1264x128xf32>,
    return
  }
  func.func @transform_0(%arg0: i32) -> (i32, i32) {
    %c0_i32 = arith.constant 0 : i32
    %c0_i32_0 = arith.constant 0 : i32
    return %arg0, %c0_i32 : i32, i32
  }
  func.func @transform_1(%arg0: i32) -> (i32, i32) {
    %c0_i32 = arith.constant 0 : i32
    %c0_i32_0 = arith.constant 0 : i32
    %c0_i32_1 = arith.constant 0 : i32
    return %c0_i32, %c0_i32_0 : i32, i32
  }
  func.func @transform_2(%arg0: i32) -> (i32, i32) {
    %c0_i32 = arith.constant 0 : i32
    %c0_i32_0 = arith.constant 0 : i32
    return %arg0, %c0_i32 : i32, i32
  }
  func.func @transform_3(%arg0: i32) -> (i32, i32) {
    %c0_i32 = arith.constant 0 : i32
    %c0_i32_0 = arith.constant 0 : i32
    return %arg0, %c0_i32 : i32, i32
  }
  func.func @transform_4(%arg0: i32) -> (i32, i32) {
    %c0_i32 = arith.constant 0 : i32
    %c0_i32_0 = arith.constant 0 : i32
    return %arg0, %c0_i32 : i32, i32
  }
}

module attributes {stable_mosaic.version = 14 : i64} {
  func.func @_mid_body(%arg0: i32, %arg1: memref<1264x128xf32, #tpu.memory_space<vmem>>, %arg2: memref<1264x128xf32, #tpu.memory_space<vmem>>, %arg3: memref<1264x128xf32, #tpu.memory_space<vmem>>, %arg4: memref<1264x16xf32, #tpu.memory_space<vmem>>, %arg5: memref<1264x16xf32, #tpu.memory_space<vmem>>, %arg6: memref<1x128xf32, #tpu.memory_space<vmem>>, %arg7: memref<128x64xf32, #tpu.memory_space<vmem>>, %arg8: memref<1264x64xf32, #tpu.memory_space<vmem>>) attributes {dimension_semantics = [#tpu.dimension_semantics<arbitrary>], iteration_bounds = array<i64: 8>, scalar_prefetch = 0 : i64, scratch_operands = 0 : i64, tpu.core_type = #tpu.core_type<tc>, window_params = [{transform_indices = @transform_0, window_bounds = array<i64: 1264, 128>}, {transform_indices = @transform_1, window_bounds = array<i64: 1264, 128>}, {transform_indices = @transform_2, window_bounds = array<i64: 1264, 128>}, {transform_indices = @transform_3, window_bounds = array<i64: 1264, 16>}, {transform_indices = @transform_4, window_bounds = array<i64: 1264, 16>}, {pipeline_mode = #tpu.pipeline_mode<synchronous>, transform_indices = @transform_5, window_bounds = array<i64: 1, 128>}, {pipeline_mode = #tpu.pipeline_mode<synchronous>, transform_indices = @transform_6, window_bounds = array<i64: 128, 64>}, {transform_indices = @transform_7, window_bounds = array<i64: 1264, 64>}]} {
    %get3A = arith.constant 0 : index
    %get3A_0 = arith.constant 0 : index
    %get3A_1 = vector.load %arg4[%get3A, %get3A_0] : memref<1264x16xf32, #tpu.memory_space<vmem>>, vector<1264x1xf32>
    %get3A_2 = arith.constant 0 : index
    %get3A_3 = arith.constant 0 : index
    %get3A_4 = vector.load %arg5[%get3A_2, %get3A_3] : memref<1264x16xf32, #tpu.memory_space<vmem>>, vector<1264x1xf32>
    %add3A = arith.addf %get3A_1, %get3A_4 : vector<1264x1xf32>
    %sub3A = arith.constant 1.000000e+00 : f32
    %sub3A_5 = vector.broadcast %sub3A : f32 to vector<1264x1xf32>
    %sub3A_6 = arith.subf %add3A, %sub3A_5 : vector<1264x1xf32>
    %rsqrt3A = math.rsqrt %sub3A_6 : vector<1264x1xf32>
    %get3A_7 = arith.constant 0 : index
    %get3A_8 = arith.constant 0 : index
    %get3A_9 = vector.load %arg1[%get3A_7, %get3A_8] : memref<1264x128xf32, #tpu.memory_space<vmem>>, vector<1264x128xf32>
    %get3A_10 = arith.constant 0 : index
    %get3A_11 = arith.constant 0 : index
    %get3A_12 = vector.load %arg2[%get3A_10, %get3A_11] : memref<1264x128xf32, #tpu.memory_space<vmem>>, vector<1264x128xf32>
    %add3A_13 = arith.addf %get3A_9, %get3A_12 : vector<1264x128xf32>
    %get3A_14 = arith.constant 0 : index
    %get3A_15 = arith.constant 0 : index
    %get3A_16 = vector.load %arg3[%get3A_14, %get3A_15] : memref<1264x128xf32, #tpu.memory_space<vmem>>, vector<1264x128xf32>
    %add3A_17 = arith.addf %add3A_13, %get3A_16 : vector<1264x128xf32>
    %mul3A = vector.broadcast %rsqrt3A : vector<1264x1xf32> to vector<1264x128xf32>
    %mul3A_18 = arith.mulf %mul3A, %add3A_17 : vector<1264x128xf32>
    %get3A_19 = arith.constant 0 : index
    %get3A_20 = arith.constant 0 : index
    %get3A_21 = vector.load %arg6[%get3A_19, %get3A_20] : memref<1x128xf32, #tpu.memory_space<vmem>>, vector<1x128xf32>
    %add3A_22 = vector.broadcast %get3A_21 : vector<1x128xf32> to vector<1264x128xf32>
    %add3A_23 = arith.addf %mul3A_18, %add3A_22 : vector<1264x128xf32>
    %max3A = arith.constant 0.000000e+00 : f32
    %max3A_24 = vector.broadcast %max3A : f32 to vector<1264x128xf32>
    %max3A_25 = arith.maximumf %add3A_23, %max3A_24 : vector<1264x128xf32>
    %get3A_26 = arith.constant 0 : index
    %get3A_27 = arith.constant 0 : index
    %get3A_28 = vector.load %arg7[%get3A_26, %get3A_27] : memref<128x64xf32, #tpu.memory_space<vmem>>, vector<128x64xf32>
    %dot_general3A = arith.constant dense<0.000000e+00> : vector<1264x64xf32>
    %dot_general3A_29 = tpu.matmul %max3A_25, %get3A_28, %dot_general3A {dimension_numbers = #tpu.dot_dimension_numbers<[1], [0], [0], [1], [0, 0, 1, 1], [], []>, transpose_lhs_hint = false} : vector<1264x128xf32>, vector<128x64xf32>, vector<1264x64xf32> -> vector<1264x64xf32>
    %mul3A_30 = vector.broadcast %rsqrt3A : vector<1264x1xf32> to vector<1264x64xf32>
    %mul3A_31 = arith.mulf %dot_general3A_29, %mul3A_30 : vector<1264x64xf32>
    %swap3A = arith.constant 0 : index
    %swap3A_32 = arith.constant 0 : index
    %swap3A_33 = vector.load %arg8[%swap3A, %swap3A_32] : memref<1264x64xf32, #tpu.memory_space<vmem>>, vector<1264x64xf32>
    tpu.vector_store %arg8[%swap3A, %swap3A_32], %mul3A_31 {strides = array<i32>} : memref<1264x64xf32, #tpu.memory_space<vmem>>, vector<1264x64xf32>,
    return
  }
  func.func @transform_0(%arg0: i32) -> (i32, i32) {
    %c0_i32 = arith.constant 0 : i32
    %c0_i32_0 = arith.constant 0 : i32
    return %arg0, %c0_i32 : i32, i32
  }
  func.func @transform_1(%arg0: i32) -> (i32, i32) {
    %c0_i32 = arith.constant 0 : i32
    %c0_i32_0 = arith.constant 0 : i32
    return %arg0, %c0_i32 : i32, i32
  }
  func.func @transform_2(%arg0: i32) -> (i32, i32) {
    %c0_i32 = arith.constant 0 : i32
    %c0_i32_0 = arith.constant 0 : i32
    return %arg0, %c0_i32 : i32, i32
  }
  func.func @transform_3(%arg0: i32) -> (i32, i32) {
    %c0_i32 = arith.constant 0 : i32
    %c0_i32_0 = arith.constant 0 : i32
    return %arg0, %c0_i32 : i32, i32
  }
  func.func @transform_4(%arg0: i32) -> (i32, i32) {
    %c0_i32 = arith.constant 0 : i32
    %c0_i32_0 = arith.constant 0 : i32
    return %arg0, %c0_i32 : i32, i32
  }
  func.func @transform_5(%arg0: i32) -> (i32, i32) {
    %c0_i32 = arith.constant 0 : i32
    %c0_i32_0 = arith.constant 0 : i32
    %c0_i32_1 = arith.constant 0 : i32
    return %c0_i32, %c0_i32_0 : i32, i32
  }
  func.func @transform_6(%arg0: i32) -> (i32, i32) {
    %c0_i32 = arith.constant 0 : i32
    %c0_i32_0 = arith.constant 0 : i32
    %c0_i32_1 = arith.constant 0 : i32
    return %c0_i32, %c0_i32_0 : i32, i32
  }
  func.func @transform_7(%arg0: i32) -> (i32, i32) {
    %c0_i32 = arith.constant 0 : i32
    %c0_i32_0 = arith.constant 0 : i32
    return %arg0, %c0_i32 : i32, i32
  }
}

module attributes {stable_mosaic.version = 14 : i64} {
  func.func @_final_body(%arg0: i32, %arg1: memref<1264x64xf32, #tpu.memory_space<vmem>>, %arg2: memref<1264x64xf32, #tpu.memory_space<vmem>>, %arg3: memref<1264x64xf32, #tpu.memory_space<vmem>>, %arg4: memref<1264x16xf32, #tpu.memory_space<vmem>>, %arg5: memref<1264x16xf32, #tpu.memory_space<vmem>>, %arg6: memref<1x64xf32, #tpu.memory_space<vmem>>, %arg7: memref<1264x64xf32, #tpu.memory_space<vmem>>) attributes {dimension_semantics = [#tpu.dimension_semantics<arbitrary>], iteration_bounds = array<i64: 8>, scalar_prefetch = 0 : i64, scratch_operands = 0 : i64, tpu.core_type = #tpu.core_type<tc>, window_params = [{transform_indices = @transform_0, window_bounds = array<i64: 1264, 64>}, {transform_indices = @transform_1, window_bounds = array<i64: 1264, 64>}, {transform_indices = @transform_2, window_bounds = array<i64: 1264, 64>}, {transform_indices = @transform_3, window_bounds = array<i64: 1264, 16>}, {transform_indices = @transform_4, window_bounds = array<i64: 1264, 16>}, {pipeline_mode = #tpu.pipeline_mode<synchronous>, transform_indices = @transform_5, window_bounds = array<i64: 1, 64>}, {transform_indices = @transform_6, window_bounds = array<i64: 1264, 64>}]} {
    %get3A = arith.constant 0 : index
    %get3A_0 = arith.constant 0 : index
    %get3A_1 = vector.load %arg4[%get3A, %get3A_0] : memref<1264x16xf32, #tpu.memory_space<vmem>>, vector<1264x1xf32>
    %get3A_2 = arith.constant 0 : index
    %get3A_3 = arith.constant 0 : index
    %get3A_4 = vector.load %arg5[%get3A_2, %get3A_3] : memref<1264x16xf32, #tpu.memory_space<vmem>>, vector<1264x1xf32>
    %add3A = arith.addf %get3A_1, %get3A_4 : vector<1264x1xf32>
    %sub3A = arith.constant 1.000000e+00 : f32
    %sub3A_5 = vector.broadcast %sub3A : f32 to vector<1264x1xf32>
    %sub3A_6 = arith.subf %add3A, %sub3A_5 : vector<1264x1xf32>
    %rsqrt3A = math.rsqrt %sub3A_6 : vector<1264x1xf32>
    %get3A_7 = arith.constant 0 : index
    %get3A_8 = arith.constant 0 : index
    %get3A_9 = vector.load %arg1[%get3A_7, %get3A_8] : memref<1264x64xf32, #tpu.memory_space<vmem>>, vector<1264x64xf32>
    %get3A_10 = arith.constant 0 : index
    %get3A_11 = arith.constant 0 : index
    %get3A_12 = vector.load %arg2[%get3A_10, %get3A_11] : memref<1264x64xf32, #tpu.memory_space<vmem>>, vector<1264x64xf32>
    %add3A_13 = arith.addf %get3A_9, %get3A_12 : vector<1264x64xf32>
    %get3A_14 = arith.constant 0 : index
    %get3A_15 = arith.constant 0 : index
    %get3A_16 = vector.load %arg3[%get3A_14, %get3A_15] : memref<1264x64xf32, #tpu.memory_space<vmem>>, vector<1264x64xf32>
    %add3A_17 = arith.addf %add3A_13, %get3A_16 : vector<1264x64xf32>
    %mul3A = vector.broadcast %rsqrt3A : vector<1264x1xf32> to vector<1264x64xf32>
    %mul3A_18 = arith.mulf %mul3A, %add3A_17 : vector<1264x64xf32>
    %get3A_19 = arith.constant 0 : index
    %get3A_20 = arith.constant 0 : index
    %get3A_21 = vector.load %arg6[%get3A_19, %get3A_20] : memref<1x64xf32, #tpu.memory_space<vmem>>, vector<1x64xf32>
    %add3A_22 = vector.broadcast %get3A_21 : vector<1x64xf32> to vector<1264x64xf32>
    %add3A_23 = arith.addf %mul3A_18, %add3A_22 : vector<1264x64xf32>
    %swap3A = arith.constant 0 : index
    %swap3A_24 = arith.constant 0 : index
    %swap3A_25 = vector.load %arg7[%swap3A, %swap3A_24] : memref<1264x64xf32, #tpu.memory_space<vmem>>, vector<1264x64xf32>
    tpu.vector_store %arg7[%swap3A, %swap3A_24], %add3A_23 {strides = array<i32>} : memref<1264x64xf32, #tpu.memory_space<vmem>>, vector<1264x64xf32>,
    return
  }
  func.func @transform_0(%arg0: i32) -> (i32, i32) {
    %c0_i32 = arith.constant 0 : i32
    %c0_i32_0 = arith.constant 0 : i32
    return %arg0, %c0_i32 : i32, i32
  }
  func.func @transform_1(%arg0: i32) -> (i32, i32) {
    %c0_i32 = arith.constant 0 : i32
    %c0_i32_0 = arith.constant 0 : i32
    return %arg0, %c0_i32 : i32, i32
  }
  func.func @transform_2(%arg0: i32) -> (i32, i32) {
    %c0_i32 = arith.constant 0 : i32
    %c0_i32_0 = arith.constant 0 : i32
    return %arg0, %c0_i32 : i32, i32
  }
  func.func @transform_3(%arg0: i32) -> (i32, i32) {
    %c0_i32 = arith.constant 0 : i32
    %c0_i32_0 = arith.constant 0 : i32
    return %arg0, %c0_i32 : i32, i32
  }
  func.func @transform_4(%arg0: i32) -> (i32, i32) {
    %c0_i32 = arith.constant 0 : i32
    %c0_i32_0 = arith.constant 0 : i32
    return %arg0, %c0_i32 : i32, i32
  }
  func.func @transform_5(%arg0: i32) -> (i32, i32) {
    %c0_i32 = arith.constant 0 : i32
    %c0_i32_0 = arith.constant 0 : i32
    %c0_i32_1 = arith.constant 0 : i32
    return %c0_i32, %c0_i32_0 : i32, i32
  }
  func.func @transform_6(%arg0: i32) -> (i32, i32) {
    %c0_i32 = arith.constant 0 : i32
    %c0_i32_0 = arith.constant 0 : i32
    return %arg0, %c0_i32 : i32, i32
  }
}

</mosaic_0001>

<sc_bundles>
// kernel: kernel.11.cloned.1.call-start
scs
__scs_entry_jumppad:
0x0: {  	(pc) =	sbr.rel $0x88, $3  }
0x1: {  	(tag) =	ssettag $0x0;
	lr =	simm.s32 $0x1  }
0x2: {  	[smem:$0x3F9B] =	sst lr;
	_ =	strace $0xD0000000  }
0x3: {  	_ = 	snop  }
0x4: {  	_ = 	snop  }
0x5: {  	_ = 	snop  }
0x6: {  	_ = 	snop  }
0x7: {  	_ = 	snop  }
__scs_overlays_trampoline_lowered:
0x8: {  	[smem:$0x3FAA] =	sst s0  }
0x9: {  	[smem:$0x3FAB] =	sst s1  }
0xa: {  	[smem:$0x3FAC] =	sst s2  }
0xb: {  	[smem:$0x3FAD] =	sst s3  }
0xc: {  	[smem:$0x3FAE] =	sst s4  }
0xd: {  	[smem:$0x3FAF] =	sst s5  }
0xe: {  	[smem:$0x3FB0] =	sst s6  }
0xf: {  	[smem:$0x3FB1] =	sst s7  }
0x10: {  	[smem:$0x3FB2] =	sst s8  }
0x11: {  	[smem:$0x3FB3] =	sst s9;
	s0 =	simm.s32 @!p0 $0x0  }
0x12: {  	s1 =	sld [smem:$0x3F99];
	s0 =	simm.s32 @p0 $0x1  }
0x13: {  	[smem:$0x3FB4] =	sst s0;
	s0 =	simm.s32 @!p1 $0x0  }
0x14: {  	s2 =	sld [smem:$0x3F98];
	s0 =	simm.s32 @p1 $0x1  }
0x15: {  	[smem:$0x3FB5] =	sst s0;
	s0 =	simm.s32 @!p2 $0x0  }
0x16: {  	s3 =	sld [smem:$0x3FDB];
	s0 =	simm.s32 @p2 $0x1  }
0x17: {  	s4 =	simm.s32 $0x1BF5;
	[smem:$0x3FB7] =	sst s0  }
0x18: {  	s0 =	sld [smem:$0x3F9A];
	_ =	swait.ge [sflag:s4], $0x0  }
0x19: {  	s7 =	sld [smem:$0x3F9B]  }
0x1a: {  	s8 =	sadd.s32 $0xFFFFE003, lr  }
0x1b: {  	s9 =	sadd.s32 $0xFFFFFEF7, lr;
	s5 =	simm.s32 $0xFFFFFFFF;
	p2 =	slt.u32 s8, $0xFFFFF086  }
0x1c: {  	p1 =	slt.u32 s9, $0xF7A;
	s5 =	simm.s32 @!p2 $0x0  }
0x1d: {  	s5 =	simm.s32 @p1 $0x1;
	p0 =	seq.s32 s7, s2  }
0x1e: {  	s7 =	smul.u32 @!p0 $0xF7A, s2;
	p2 =	seq.s32 @!p0 s5, $0x0  }
0x1f: {  	s9 =	smul.u32 $0xF7A, s1;
	s8 =	simm.s32 @!p0 $0x1BF5;
	p2 =	por !p2, p0  }
0x20: {  	[sflag:s8] =	ssyncset.s32 @!p0 $0xFFFFF086;
	s6 =	sadd.s32 @!p0 s3, s7;
	s7 =	simm.s32 @!p0 $0x108  }
0x21: {  	s3 =	sadd.s32 s3, s9;
	s6 =	sadd.s32 @!p0 $0x88, s6;
	s7 =	simm.s32 @p2 $0x1082  }
0x22: {  	[simem:s7], [sflag:s8] =	dma.local @!p0 [hbm:s6], $0xF7A  }
0x23: {  	s9 =	sor.u32 $0xD0000000, s2;
	s6 =	simm.s32 $0x108;
	_ =	swait.ge @!p0 [sflag:s8], $0x0  }
0x24: {  	s3 =	sadd.s32 $0x88, s3;
	s6 =	simm.s32 @!p1 $0x1082;
	[sflag:s4] =	ssyncset.s32 $0xFFFFF086  }
0x25: {  	[simem:s6], [sflag:s4] =	dma.local [hbm:s3], $0xF7A  }
0x26: {  	[smem:$0x3F9B] =	sst s1;
	(tag) =	ssettag s2;
	_ =	strace s9  }
0x27: {  	s1 =	sld [smem:$0x3FAB]  }
0x28: {  	s2 =	sld [smem:$0x3FAC]  }
0x29: {  	s4 =	sld [smem:$0x3FAE]  }
0x2a: {  	p0 =	seq.s32 s5, $0x0;
	s5 =	sld [smem:$0x3FAF]  }
0x2b: {  	s6 =	sld [smem:$0x3FB0]  }
0x2c: {  	s7 =	sld [smem:$0x3FB1]  }
0x2d: {  	s3 =	simm.s32 $0x108;
	s8 =	sld [smem:$0x3FB2]  }
0x2e: {  	s3 =	simm.s32 @!p0 $0x1082;
	s9 =	sld [smem:$0x3FB3]  }
0x2f: {  	lr =	sadd.s32 s0, s3;
	s0 =	sld [smem:$0x3FAA]  }
0x30: {  	s3 =	sld [smem:$0x3FAD]  }
0x31: {  	[smem:$0x3FB6] =	sst s10  }
0x32: {  	s10 =	sld [smem:$0x3FB4];
	_ =	sdelay $0x3  }
0x33: {  	p0 =	seq.s32 s10, $0x1;
	s10 =	sld [smem:$0x3FB6];
	_ =	sdelay $0x3  }
0x34: {  	[smem:$0x3FB6] =	sst s10  }
0x35: {  	s10 =	sld [smem:$0x3FB5];
	_ =	sdelay $0x3  }
0x36: {  	p1 =	seq.s32 s10, $0x1;
	s10 =	sld [smem:$0x3FB6];
	_ =	sdelay $0x3  }
0x37: {  	[smem:$0x3FB6] =	sst s10  }
0x38: {  	s10 =	sld [smem:$0x3FB7]  }
0x39: {  	_ = 	snop;
	(pc) =	sbr.ind lr, $3  }
0x3a: {  	_ = 	snop  }
0x3b: {  	_ = 	snop  }
0x3c: {  	p2 =	seq.s32 s10, $0x1;
	s10 =	sld [smem:$0x3FB6]  }
0x3d: {  	_ =	shalt  }
0x3e: {  	_ =	shalt  }
0x3f: {  	_ =	shalt  }
0x40: {  	_ =	shalt  }
0x41: {  	_ =	shalt  }
0x42: {  	_ =	shalt  }
0x43: {  	_ =	shalt  }
0x44: {  	_ =	shalt  }
0x45: {  	_ =	shalt  }
0x46: {  	_ =	shalt  }
0x47: {  	_ =	shalt  }
0x48: {  	_ =	shalt  }
0x49: {  	_ =	shalt  }
0x4a: {  	_ =	shalt  }
0x4b: {  	_ =	shalt  }
0x4c: {  	_ =	shalt  }
0x4d: {  	_ =	shalt  }
0x4e: {  	_ =	shalt  }
0x4f: {  	_ =	shalt  }
0x50: {  	_ =	shalt  }
0x51: {  	_ =	shalt  }
0x52: {  	_ =	shalt  }
0x53: {  	_ =	shalt  }
0x54: {  	_ =	shalt  }
0x55: {  	_ =	shalt  }
0x56: {  	_ =	shalt  }
0x57: {  	_ =	shalt  }
0x58: {  	_ =	shalt  }
0x59: {  	_ =	shalt  }
0x5a: {  	_ =	shalt  }
0x5b: {  	_ =	shalt  }
0x5c: {  	_ =	shalt  }
0x5d: {  	_ =	shalt  }
0x5e: {  	_ =	shalt  }
0x5f: {  	_ =	shalt  }
0x60: {  	_ =	shalt  }
0x61: {  	_ =	shalt  }
0x62: {  	_ =	shalt  }
0x63: {  	_ =	shalt  }
0x64: {  	_ =	shalt  }
0x65: {  	_ =	shalt  }
0x66: {  	_ =	shalt  }
0x67: {  	_ =	shalt  }
0x68: {  	_ =	shalt  }
0x69: {  	_ =	shalt  }
0x6a: {  	_ =	shalt  }
0x6b: {  	_ =	shalt  }
0x6c: {  	_ =	shalt  }
0x6d: {  	_ =	shalt  }
0x6e: {  	_ =	shalt  }
0x6f: {  	_ =	shalt  }
0x70: {  	_ =	shalt  }
0x71: {  	_ =	shalt  }
0x72: {  	_ =	shalt  }
0x73: {  	_ =	shalt  }
0x74: {  	_ =	shalt  }
0x75: {  	_ =	shalt  }
0x76: {  	_ =	shalt  }
0x77: {  	_ =	shalt  }
0x78: {  	_ =	shalt  }
0x79: {  	_ =	shalt  }
0x7a: {  	_ =	shalt  }
0x7b: {  	_ =	shalt  }
0x7c: {  	_ =	shalt  }
0x7d: {  	_ =	shalt  }
0x7e: {  	_ =	shalt  }
0x7f: {  	_ =	shalt  }
0x80: {  	_ =	shalt  }
0x81: {  	_ =	shalt  }
0x82: {  	_ =	shalt  }
0x83: {  	_ =	shalt  }
0x84: {  	_ =	shalt  }
0x85: {  	_ =	shalt  }
0x86: {  	_ =	shalt  }
0x87: {  	_ =	shalt  }
.Lfunc_end0:
.L_simem_size_0:
called_computation.1_lowered:
.L_overlay_start_0:
0x88: {  	s2 =	sld [smem:$0x3FD9]  }
0x89: {  	s3 =	sld [smem:$0x3FFE];
	_ =	sdelay $0x1  }
0x8a: {  	s1 =	srdreg.scid  }
0x8b: {  	s0 =	sand.u32 $0x1, s1  }
0x8c: {  	s16 =	sshll.u32 s0, $0xA;
	s2 =	sadd.s32 s3, s2  }
0x8d: {  	s2 =	sadd.s32 s2, s16  }
0x8e: {  	[smem:$0x3FC2] =	sst s2  }
0x8f: {  	_ = 	snop  }
0x90: {  	(tm) =	ssettm $0x1  }
0x91: {  	s17 =	sld [smem:$0x3FFB];
	_ =	sdelay $0x3  }
0x92: {  	_ =	strace s17  }
0x93: {  	s2 =	sld [smem:$0x3FFC];
	_ =	sdelay $0x3  }
0x94: {  	_ =	strace s2  }
0x95: {  	s2 =	sld [smem:$0x3FFD];
	_ =	sdelay $0x3  }
0x96: {  	_ =	strace s2  }
0x97: {  	_ =	strace $0x8FFFFFFF  }
0x98: {  	s18 =	sld [smem:$0x3FDB];
	_ =	sdelay $0x1  }
0x99: {  	s19 =	simm.s32 $_scs_section_size  }
0x9a: {  	s4 =	simm.s32 $_size__tile_overlayer_lowered;
	s5 =	simm.s32 $_tile_overlayer_lowered  }
0x9b: {  	s22 =	simm.s32 $0x1BFF;
	s21 =	sshll.u32 s5, $0x1;
	s2 =	sadd.s32 s19, s18  }
0x9c: {  	s6 =	simm.s32 $0x0;
	s20 =	sshll.u32 s4, $0x1;
	s4 =	sadd.s32 s21, s2  }
0x9d: {  	[timem:s6], [sflag:s22] =	dma.local [hbm:s4], s20  }
0x9e: {  	_ =	swait.ge [sflag:s22], s20  }
0x9f: {  	s3 =	ssub.s32 $0x0, s20;
	[sflag:s22] =	ssyncset.done $0x0  }
0xa0: {  	[sflag:s22] =	ssyncadd.s32 s3;
	_ =	sdelay $0x1  }
0xa1: {  	s23 =	simm.s32 $0x1B8B  }
0xa2: {  	_ =	swait.ge [sflag:s23], $0x1  }
0xa3: {  	[sflag:s23] =	ssyncset.done $0x0  }
0xa4: {  	s25 =	simm.s32 $0x1B8E;
	s24 =	sld [smem:$0x3FFE];
	[sflag:s23] =	ssyncadd.s32 $0xFFFFFFFF  }
0xa5: {  	s26 =	simm.s32 $execute0_lowered;
	[smem:$0x3FD2] =	sst s25  }
0xa6: {  	s4 =	sshll.u32 s26, $0x1;
	_ =	strace $0x80000049;
	[dreg:$0x1] =	wrdreg $0xFFFFFFFF  }
0xa7: {  	s28 =	simm.s32 $_size_execute0_lowered;
	s2 =	sadd.s32 s2, s4;
	[dreg:$0x0] =	wrdreg $0x0  }
0xa8: {  	s4 =	sshll.u32 s28, $0x1;
	[dreg:$0x2] =	wrdreg s2  }
0xa9: {  	[dreg:$0x3] =	wrdreg s4  }
0xaa: {  	[dreg:$0x4] =	wrdreg $0xC0  }
0xab: {  	_ =	task [dreg:s6], $0x5FFFF  }
0xac: {  	[dreg:$0x1] =	wrdreg $0xFFFFFFFF  }
0xad: {  	[dreg:$0x0] =	wrdreg $0x60  }
0xae: {  	[dreg:$0x2] =	wrdreg s24  }
0xaf: {  	[dreg:$0x3] =	wrdreg $0xBB800  }
0xb0: {  	[dreg:$0x4] =	wrdreg $0x9  }
0xb1: {  	_ =	task.clear_ibuf [dreg:s6], $0x5FFFF;
	_ =	strace $0x90000049  }
0xb2: {  	s29 =	simm.s32 $0x9;
	_ =	strace $0x8000004B  }
0xb3: {  	_ =	swait.ge [sflag:s29], $0x1  }
0xb4: {  	[sflag:s29] =	ssyncadd.s32 $0xFFFFFFFF  }
0xb5: {  	_ =	strace $0x9000004B  }
0xb6: {  	_ =	sfence  }
0xb7: {  	s30 =	sld [smem:$0x0];
	_ =	sdelay $0x2  }
0xb8: {  	s31 =	sshll.u32 s1, $0xD;
	s1 =	sshrl.u32 s1, $0x2  }
0xb9: {  	s3 =	sand.u32 $0x4000, s31;
	s1 =	sadd.s32 s1, s30  }
0xba: {  	s0 =	sor.u32 s3, s0;
	s1 =	sshll.u32 s1, $0x11  }
0xbb: {  	s0 =	sor.u32 s1, s0  }
0xbc: {  	s0 =	sadd.s32 $0x8F2B, s0  }
0xbd: {  	[sflag:s0] =	ssyncadd.remote.s32 $0x1  }
0xbe: {  	_ =	sfence.sel $0xFFFF  }
0xbf: {  	[dreg:$0x0] =	wrdreg $0xFFFFFFFF;
	(pc) =	sbr.abs _section_cstart, $3  }
0xc0: {  	[dreg:$0x1] =	wrdreg $0xFFFFFFFF  }
0xc1: {  	_ =	task.clear_ibuf [dreg:s6], $0x2FFFF;
	_ =	strace $0x9FFFFFFF  }
0xc2: {  	(tm) =	ssettm $0x7FFFFFFF  }
0xc3: {  	_ =	shalt  }
tec
execute0_lowered:
.L_overlay_start_1:
0x0: {  	(tag) =	ssettag $0x1  }
0x1: {  	s0 =	srdreg.scid;
	s5 =	rddreg [dreg:$0x0]  }
0x2: {  	s11 =	stileid.u32;
	s2 =	rddreg [dreg:$0x1];
	s3 =	simm.s32 $0x0  }
0x3: {  	s10 =	simm.s32 $0x6;
	s14 =	simm.s32 $0x32;
	s15 =	simm.s32 $0x5780  }
0x4: {  	s17 =	simm.s32 $0x7080;
	s18 =	simm.s32 $0x70;
	s19 =	simm.s32 $0x8980  }
0x5: {  	s20 =	simm.s32 $0x1;
	s21 =	simm.s32 $0xA280;
	s28 =	simm.s32 $0x2B88  }
0x6: {  	s29 =	simm.s32 $0x56D8;
	s30 =	simm.s32 $0x5710;
	s31 =	simm.s32 $0x5748  }
0x7: {  	s0 =	sand.u32 $0x1, s0;
	s1 =	sshll.u32 s11, $0x1;
	s7 =	smul.u32 $0x13C00, s11  }
0x8: {  	s6 =	smul.u32 $0x2780, s11;
	[smem:$0x7FF] =	sst s3;
	s4 =	sadd.s32 $0x51A00, s5  }
0x9: {  	s26 =	sshll.u32 s11, $0x6;
	s1 =	sor.u32 s0, s1;
	s8 =	smul.u32 $0x27800, s0  }
0xa: {  	_ =	strace $0x8000004A;
	s0 =	ssub.s32 $0x2, s0;
	s12 =	sor.u32 $0x1C06, s26  }
0xb: {  	s26 =	simm.s32 $0x56A0;
	s1 =	smul.u32 $0x578, s1;
	s9 =	sshrl.u32 s7, $0x3  }
0xc: {  	s24 =	sshrl.u32 s0, $0x1;
	s25 =	sadd.s32 s7, s2;
	s6 =	sadd.s32 s6, s8  }
0xd: {  	s22 =	sadd.s32 s9, s5;
	s0 =	ssub.s32 s0, s24;
	s13 =	sshrl.u32 s25, $0x3  }
0xe: {  	s24 =	simm.s32 $0x3;
	s25 =	simm.s32 $0x4;
	s1 =	sadd.s32 s1, s5  }
0xf: {  	s23 =	sadd.s32 s6, s5;
	s7 =	sadd.s32 $0x8FA00, s22;
	s9 =	smax.u32 s0, $0x1  }
0x10: {  	s22 =	simm.s32 $0x2;
	s5 =	sadd.s32 $0x79A00, s1;
	s6 =	sadd.s32 $0x84A00, s1  }
0x11: {  	s8 =	sadd.s32 $0xB7200, s23;
	s23 =	simm.s32 $0x5;
	s1 =	simm.s32 $0x0  }
.LBB2_1:
0x12: {  	[tilespmem:s3], [sflag:$0x6] =	stream.linear.gather [hbm4b:s5+s3], $0x2BC0, $0x38;
	[tilespmem:$0x1F780] =	vst v63  }
0x13: {  	_ =	swait.ge [sflag:s10], $0x2BC0  }
0x14: {  	[sflag:s10] =	ssyncset.done $0x0  }
0x15: {  	s0 =	simm.s32 $0x2BC0;
	[sflag:s10] =	ssyncadd.s32 $0xFFFFD440  }
0x16: {  	[tilespmem:s0], [sflag:$0x6] =	stream.linear.gather [hbm4b:s6+s3], $0x2BC0, $0x38;
	[tilespmem:$0x1F780] =	vst v63  }
0x17: {  	_ =	swait.ge [sflag:s10], $0x2BC0  }
0x18: {  	[sflag:s10] =	ssyncset.done $0x0  }
0x19: {  	[sflag:s10] =	ssyncadd.s32 $0xFFFFD440  }
0x1a: {  	[spmem:s13], [sflag:s12] =	dma.local [hbm:s7], $0x2780  }
0x1b: {  	_ =	swait.ge [sflag:s10], $0x2780  }
0x1c: {  	[sflag:s10] =	ssyncset.done $0x0  }
0x1d: {  	[sflag:s10] =	ssyncadd.s32 $0xFFFFD880  }
0x1e: {  	[bflag:$0x0] =	sbarrier.arrive $0xFFFF  }
0x1f: {  	[tilespmem:s15], [sflag:$0x1] =	stream.indirect.gather [hbm4b:s4+s14], $0x80, s3, s14, $0xb8;
	[tilespmem:$0x1F780] =	vst v63  }
0x20: {  	s16 =	simm.s32 $0x38  }
0x21: {  	[tilespmem:s17], [sflag:$0x2] =	stream.indirect.gather [hbm4b:s4+s14], $0x80, s16, s14, $0xb8;
	[tilespmem:$0x1F780] =	vst v63  }
0x22: {  	_ = 	snop  }
0x23: {  	[tilespmem:s19], [sflag:$0x3] =	stream.indirect.gather [hbm4b:s4+s14], $0x80, s18, s14, $0xb8;
	[tilespmem:$0x1F780] =	vst v63  }
0x24: {  	_ =	swait.ge [sflag:s20], $0x1900  }
0x25: {  	[sflag:s20] =	ssyncset.done $0x0  }
0x26: {  	s11 =	simm.s32 $0x2BC0;
	[sflag:s20] =	ssyncadd.s32 $0xFFFFE700  }
0x27: {  	[spmem:s2] =	stream.indirect.scatter.add.f32 [tilespmem:s15], [sflag:$0x5], $0x80, s11, s14, $0xb8;
	[tilespmem:$0x1F780] =	vst v63  }
0x28: {  	s16 =	simm.s32 $0xA8  }
0x29: {  	[tilespmem:s21], [sflag:$0x4] =	stream.indirect.gather [hbm4b:s4+s14], $0x80, s16, s14, $0xb8;
	[tilespmem:$0x1F780] =	vst v63  }
0x2a: {  	_ =	swait.ge [sflag:s22], $0x1900  }
0x2b: {  	[sflag:s22] =	ssyncset.done $0x0  }
0x2c: {  	[sflag:s22] =	ssyncadd.s32 $0xFFFFE700  }
0x2d: {  	_ =	swait.ge [sflag:s23], $0x1900  }
0x2e: {  	[sflag:s23] =	ssyncset.done $0x0  }
0x2f: {  	s11 =	simm.s32 $0x2BF8;
	[sflag:s23] =	ssyncadd.s32 $0xFFFFE700  }
0x30: {  	[spmem:s2] =	stream.indirect.scatter.add.f32 [tilespmem:s17], [sflag:$0x5], $0x80, s11, s14, $0xb8;
	[tilespmem:$0x1F780] =	vst v63  }
0x31: {  	s16 =	simm.s32 $0xE0  }
0x32: {  	[tilespmem:s15], [sflag:$0x1] =	stream.indirect.gather [hbm4b:s4+s14], $0x80, s16, s14, $0xb8;
	[tilespmem:$0x1F780] =	vst v63  }
0x33: {  	_ =	swait.ge [sflag:s24], $0x1900  }
0x34: {  	[sflag:s24] =	ssyncset.done $0x0  }
0x35: {  	[sflag:s24] =	ssyncadd.s32 $0xFFFFE700  }
0x36: {  	_ =	swait.ge [sflag:s23], $0x1900  }
0x37: {  	[sflag:s23] =	ssyncset.done $0x0  }
0x38: {  	s11 =	simm.s32 $0x2C30;
	[sflag:s23] =	ssyncadd.s32 $0xFFFFE700  }
0x39: {  	[spmem:s2] =	stream.indirect.scatter.add.f32 [tilespmem:s19], [sflag:$0x5], $0x80, s11, s14, $0xb8;
	[tilespmem:$0x1F780] =	vst v63  }
0x3a: {  	s16 =	simm.s32 $0x118  }
0x3b: {  	[tilespmem:s17], [sflag:$0x2] =	stream.indirect.gather [hbm4b:s4+s14], $0x80, s16, s14, $0xb8;
	[tilespmem:$0x1F780] =	vst v63  }
0x3c: {  	_ =	swait.ge [sflag:s25], $0x1900  }
0x3d: {  	[sflag:s25] =	ssyncset.done $0x0  }
0x3e: {  	[sflag:s25] =	ssyncadd.s32 $0xFFFFE700  }
0x3f: {  	_ =	swait.ge [sflag:s23], $0x1900  }
0x40: {  	[sflag:s23] =	ssyncset.done $0x0  }
0x41: {  	s11 =	simm.s32 $0x2C68;
	[sflag:s23] =	ssyncadd.s32 $0xFFFFE700  }
0x42: {  	[spmem:s2] =	stream.indirect.scatter.add.f32 [tilespmem:s21], [sflag:$0x5], $0x80, s11, s14, $0xb8;
	[tilespmem:$0x1F780] =	vst v63  }
0x43: {  	s16 =	simm.s32 $0x150  }
0x44: {  	[tilespmem:s19], [sflag:$0x3] =	stream.indirect.gather [hbm4b:s4+s14], $0x80, s16, s14, $0xb8;
	[tilespmem:$0x1F780] =	vst v63  }
0x45: {  	_ =	swait.ge [sflag:s23], $0x1900  }
0x46: {  	s0 =	simm.s32 $0x380;
	[sflag:s23] =	ssyncset.done $0x0  }
.LBB2_2:
0x47: {  	p0 =	sne.s32 s0, $0xA800  }
0x48: {  	[sflag:s23] =	ssyncadd.s32 $0xFFFFE700;
	s11 =	smov.u32 s0;
	s0 =	sadd.s32 $0x380, s0  }
0x49: {  	_ = 	snop  }
0x4a: {  	_ =	swait.ge [sflag:s20], $0x1900  }
0x4b: {  	s11 =	sshra.s32 s11, $0x2;
	[sflag:s20] =	ssyncset.done $0x0  }
0x4c: {  	s16 =	sadd.s32 $0x2BC0, s11;
	[sflag:s20] =	ssyncadd.s32 $0xFFFFE700  }
0x4d: {  	[spmem:s2] =	stream.indirect.scatter.add.f32 [tilespmem:s15], [sflag:$0x5], $0x80, s16, s14, $0xb8;
	[tilespmem:$0x1F780] =	vst v63  }
0x4e: {  	s16 =	sadd.s32 $0xA8, s11  }
0x4f: {  	[tilespmem:s21], [sflag:$0x4] =	stream.indirect.gather [hbm4b:s4+s14], $0x80, s16, s14, $0xb8;
	[tilespmem:$0x1F780] =	vst v63  }
0x50: {  	_ =	swait.ge [sflag:s22], $0x1900  }
0x51: {  	[sflag:s22] =	ssyncset.done $0x0  }
0x52: {  	[sflag:s22] =	ssyncadd.s32 $0xFFFFE700  }
0x53: {  	_ =	swait.ge [sflag:s23], $0x1900  }
0x54: {  	[sflag:s23] =	ssyncset.done $0x0  }
0x55: {  	s16 =	sadd.s32 $0x2BF8, s11;
	[sflag:s23] =	ssyncadd.s32 $0xFFFFE700  }
0x56: {  	[spmem:s2] =	stream.indirect.scatter.add.f32 [tilespmem:s17], [sflag:$0x5], $0x80, s16, s14, $0xb8;
	[tilespmem:$0x1F780] =	vst v63  }
0x57: {  	s16 =	sadd.s32 $0xE0, s11  }
0x58: {  	[tilespmem:s15], [sflag:$0x1] =	stream.indirect.gather [hbm4b:s4+s14], $0x80, s16, s14, $0xb8;
	[tilespmem:$0x1F780] =	vst v63  }
0x59: {  	_ =	swait.ge [sflag:s24], $0x1900  }
0x5a: {  	[sflag:s24] =	ssyncset.done $0x0  }
0x5b: {  	[sflag:s24] =	ssyncadd.s32 $0xFFFFE700  }
0x5c: {  	_ =	swait.ge [sflag:s23], $0x1900  }
0x5d: {  	[sflag:s23] =	ssyncset.done $0x0  }
0x5e: {  	s16 =	sadd.s32 $0x2C30, s11;
	[sflag:s23] =	ssyncadd.s32 $0xFFFFE700  }
0x5f: {  	[spmem:s2] =	stream.indirect.scatter.add.f32 [tilespmem:s19], [sflag:$0x5], $0x80, s16, s14, $0xb8;
	[tilespmem:$0x1F780] =	vst v63  }
0x60: {  	s16 =	sadd.s32 $0x118, s11  }
0x61: {  	[tilespmem:s17], [sflag:$0x2] =	stream.indirect.gather [hbm4b:s4+s14], $0x80, s16, s14, $0xb8;
	[tilespmem:$0x1F780] =	vst v63  }
0x62: {  	_ =	swait.ge [sflag:s25], $0x1900  }
0x63: {  	[sflag:s25] =	ssyncset.done $0x0  }
0x64: {  	[sflag:s25] =	ssyncadd.s32 $0xFFFFE700  }
0x65: {  	_ =	swait.ge [sflag:s23], $0x1900  }
0x66: {  	[sflag:s23] =	ssyncset.done $0x0  }
0x67: {  	s16 =	sadd.s32 $0x2C68, s11;
	[sflag:s23] =	ssyncadd.s32 $0xFFFFE700  }
0x68: {  	[spmem:s2] =	stream.indirect.scatter.add.f32 [tilespmem:s21], [sflag:$0x5], $0x80, s16, s14, $0xb8;
	[tilespmem:$0x1F780] =	vst v63  }
.Ltmp0:
0x69: {  	_ = 	snop;
	(pc) =	sbr.rel @p0 .LBB2_2-.Ltmp0, $4  }
0x6a: {  	s11 =	sadd.s32 $0x150, s11  }
0x6b: {  	[tilespmem:s19], [sflag:$0x3] =	stream.indirect.gather [hbm4b:s4+s14], $0x80, s11, s14, $0xb8;
	[tilespmem:$0x1F780] =	vst v63  }
0x6c: {  	_ =	swait.ge [sflag:s23], $0x1900  }
0x6d: {  	[sflag:s23] =	ssyncset.done $0x0  }
0x6e: {  	[sflag:s23] =	ssyncadd.s32 $0xFFFFE700  }
0x6f: {  	_ =	swait.ge [sflag:s20], $0x1900  }
0x70: {  	[sflag:s20] =	ssyncset.done $0x0  }
0x71: {  	[sflag:s20] =	ssyncadd.s32 $0xFFFFE700  }
0x72: {  	[spmem:s2] =	stream.indirect.scatter.add.f32 [tilespmem:s15], [sflag:$0x5], $0x80, s26, s14, $0xb8;
	[tilespmem:$0x1F780] =	vst v63  }
0x73: {  	_ = 	snop  }
0x74: {  	[tilespmem:s21], [sflag:$0x4] =	stream.indirect.gather [hbm4b:s4+s14], $0x80, s28, s14, $0xb8;
	[tilespmem:$0x1F780] =	vst v63  }
0x75: {  	_ =	swait.ge [sflag:s22], $0x1900  }
0x76: {  	[sflag:s22] =	ssyncset.done $0x0  }
0x77: {  	[sflag:s22] =	ssyncadd.s32 $0xFFFFE700  }
0x78: {  	_ =	swait.ge [sflag:s23], $0x1900  }
0x79: {  	[sflag:s23] =	ssyncset.done $0x0  }
0x7a: {  	[sflag:s23] =	ssyncadd.s32 $0xFFFFE700  }
0x7b: {  	[spmem:s2] =	stream.indirect.scatter.add.f32 [tilespmem:s17], [sflag:$0x5], $0x80, s29, s14, $0xb8;
	[tilespmem:$0x1F780] =	vst v63  }
0x7c: {  	_ =	swait.ge [sflag:s24], $0x1900  }
0x7d: {  	[sflag:s24] =	ssyncset.done $0x0  }
0x7e: {  	[sflag:s24] =	ssyncadd.s32 $0xFFFFE700  }
0x7f: {  	_ =	swait.ge [sflag:s23], $0x1900  }
0x80: {  	[sflag:s23] =	ssyncset.done $0x0  }
0x81: {  	[sflag:s23] =	ssyncadd.s32 $0xFFFFE700  }
0x82: {  	[spmem:s2] =	stream.indirect.scatter.add.f32 [tilespmem:s19], [sflag:$0x5], $0x80, s30, s14, $0xb8;
	[tilespmem:$0x1F780] =	vst v63  }
0x83: {  	_ =	swait.ge [sflag:s25], $0x1900  }
0x84: {  	[sflag:s25] =	ssyncset.done $0x0  }
0x85: {  	[sflag:s25] =	ssyncadd.s32 $0xFFFFE700  }
0x86: {  	_ =	swait.ge [sflag:s23], $0x1900  }
0x87: {  	[sflag:s23] =	ssyncset.done $0x0  }
0x88: {  	[sflag:s23] =	ssyncadd.s32 $0xFFFFE700  }
0x89: {  	[spmem:s2] =	stream.indirect.scatter.add.f32 [tilespmem:s21], [sflag:$0x5], $0x80, s31, s14, $0xb8;
	[tilespmem:$0x1F780] =	vst v63  }
0x8a: {  	_ =	swait.ge [sflag:s23], $0x1900  }
0x8b: {  	s1 =	sadd.s32 $0x1, s1;
	[sflag:s23] =	ssyncset.done $0x0  }
0x8c: {  	p0 =	sne.s32 s1, s9;
	[sflag:s23] =	ssyncadd.s32 $0xFFFFE700  }
.Ltmp1:
0x8d: {  	[bflag:$0x0] =	sbarrier.arrive $0xFFFF;
	(pc) =	sbr.rel @p0 .LBB2_1-.Ltmp1, $4  }
0x8e: {  	[hbm:s8], [sflag:s12] =	dma.local [spmem:s13], $0x2780  }
0x8f: {  	_ =	swait.ge [sflag:s10], $0x2780  }
0x90: {  	[sflag:s10] =	ssyncset.done $0x0  }
0x91: {  	[sflag:s10] =	ssyncadd.s32 $0xFFFFD880  }
0x92: {  	_ =	sfence.sel $0x180000  }
0x93: {  	[bflag:$0x0] =	sbarrier.arrive $0xFFFF  }
0x94: {  	_ =	strace $0x9000004A  }
0x95: {  	s0 =	stileid.u32;
	[bflag:$0x2] =	sbarrier.arrive $0xFFFF  }
0x96: {  	p0 =	sne.s32 s0, $0x0;
	s0 =	rddreg [dreg:$0x2]  }
0x97: {  	s0 =	sadd.s32 @!p0 $0x100000, s0  }
0x98: {  	[sflag:s0] =	ssyncadd.tile.s32 @!p0 $0x1;
	_ =	shalt  }
.Lfunc_end2:
_tile_overlayer_lowered:
.L_overlay_start_2:
0x99: {  	(tag) =	ssettag $0x2  }
0x9a: {  	s0 =	rddreg [dreg:$0x0];
	s2 =	stileid.u32  }
0x9b: {  	s1 =	rddreg [dreg:$0x1];
	p0 =	sne.s32 s2, $0x0  }
0x9c: {  	s3 =	rddreg [dreg:$0x2];
	[bflag:$0x3] =	sbarrier.arrive $0xFFFF;
	s2 =	simm.s32 @!p0 $0x1C06  }
0x9d: {  	[timem:s3], [sflag:s2] =	dma.local @!p0 [hbm:s0], s1  }
0x9e: {  	s0 =	simm.s32 @!p0 $0x6  }
0x9f: {  	_ =	swait.ge @!p0 [sflag:s0], s1  }
0xa0: {  	s1 =	ssub.s32 @!p0 $0x0, s1;
	[sflag:s0] =	ssyncset.done @!p0 $0x0  }
0xa1: {  	[sflag:s0] =	ssyncadd.s32 @!p0 s1  }
0xa2: {  	[bflag:$0x3] =	sbarrier.arrive $0xFFFF  }
0xa3: {  	_ =	shalt  }

// kernel: kernel.14.cloned.1.call-start
scs
__scs_entry_jumppad:
0x0: {  	(pc) =	sbr.rel $0x88, $3  }
0x1: {  	(tag) =	ssettag $0x0;
	lr =	simm.s32 $0x1  }
0x2: {  	[smem:$0x3F9B] =	sst lr;
	_ =	strace $0xD0000000  }
0x3: {  	_ = 	snop  }
0x4: {  	_ = 	snop  }
0x5: {  	_ = 	snop  }
0x6: {  	_ = 	snop  }
0x7: {  	_ = 	snop  }
__scs_overlays_trampoline_lowered:
0x8: {  	[smem:$0x3FAA] =	sst s0  }
0x9: {  	[smem:$0x3FAB] =	sst s1  }
0xa: {  	[smem:$0x3FAC] =	sst s2  }
0xb: {  	[smem:$0x3FAD] =	sst s3  }
0xc: {  	[smem:$0x3FAE] =	sst s4  }
0xd: {  	[smem:$0x3FAF] =	sst s5  }
0xe: {  	[smem:$0x3FB0] =	sst s6  }
0xf: {  	[smem:$0x3FB1] =	sst s7  }
0x10: {  	[smem:$0x3FB2] =	sst s8  }
0x11: {  	[smem:$0x3FB3] =	sst s9;
	s0 =	simm.s32 @!p0 $0x0  }
0x12: {  	s1 =	sld [smem:$0x3F99];
	s0 =	simm.s32 @p0 $0x1  }
0x13: {  	[smem:$0x3FB4] =	sst s0;
	s0 =	simm.s32 @!p1 $0x0  }
0x14: {  	s2 =	sld [smem:$0x3F98];
	s0 =	simm.s32 @p1 $0x1  }
0x15: {  	[smem:$0x3FB5] =	sst s0;
	s0 =	simm.s32 @!p2 $0x0  }
0x16: {  	s3 =	sld [smem:$0x3FDB];
	s0 =	simm.s32 @p2 $0x1  }
0x17: {  	s4 =	simm.s32 $0x1BF5;
	[smem:$0x3FB7] =	sst s0  }
0x18: {  	s0 =	sld [smem:$0x3F9A];
	_ =	swait.ge [sflag:s4], $0x0  }
0x19: {  	s7 =	sld [smem:$0x3F9B]  }
0x1a: {  	s8 =	sadd.s32 $0xFFFFE003, lr  }
0x1b: {  	s9 =	sadd.s32 $0xFFFFFEF7, lr;
	s5 =	simm.s32 $0xFFFFFFFF;
	p2 =	slt.u32 s8, $0xFFFFF086  }
0x1c: {  	p1 =	slt.u32 s9, $0xF7A;
	s5 =	simm.s32 @!p2 $0x0  }
0x1d: {  	s5 =	simm.s32 @p1 $0x1;
	p0 =	seq.s32 s7, s2  }
0x1e: {  	s7 =	smul.u32 @!p0 $0xF7A, s2;
	p2 =	seq.s32 @!p0 s5, $0x0  }
0x1f: {  	s9 =	smul.u32 $0xF7A, s1;
	s8 =	simm.s32 @!p0 $0x1BF5;
	p2 =	por !p2, p0  }
0x20: {  	[sflag:s8] =	ssyncset.s32 @!p0 $0xFFFFF086;
	s6 =	sadd.s32 @!p0 s3, s7;
	s7 =	simm.s32 @!p0 $0x108  }
0x21: {  	s3 =	sadd.s32 s3, s9;
	s6 =	sadd.s32 @!p0 $0x88, s6;
	s7 =	simm.s32 @p2 $0x1082  }
0x22: {  	[simem:s7], [sflag:s8] =	dma.local @!p0 [hbm:s6], $0xF7A  }
0x23: {  	s9 =	sor.u32 $0xD0000000, s2;
	s6 =	simm.s32 $0x108;
	_ =	swait.ge @!p0 [sflag:s8], $0x0  }
0x24: {  	s3 =	sadd.s32 $0x88, s3;
	s6 =	simm.s32 @!p1 $0x1082;
	[sflag:s4] =	ssyncset.s32 $0xFFFFF086  }
0x25: {  	[simem:s6], [sflag:s4] =	dma.local [hbm:s3], $0xF7A  }
0x26: {  	[smem:$0x3F9B] =	sst s1;
	(tag) =	ssettag s2;
	_ =	strace s9  }
0x27: {  	s1 =	sld [smem:$0x3FAB]  }
0x28: {  	s2 =	sld [smem:$0x3FAC]  }
0x29: {  	s4 =	sld [smem:$0x3FAE]  }
0x2a: {  	p0 =	seq.s32 s5, $0x0;
	s5 =	sld [smem:$0x3FAF]  }
0x2b: {  	s6 =	sld [smem:$0x3FB0]  }
0x2c: {  	s7 =	sld [smem:$0x3FB1]  }
0x2d: {  	s3 =	simm.s32 $0x108;
	s8 =	sld [smem:$0x3FB2]  }
0x2e: {  	s3 =	simm.s32 @!p0 $0x1082;
	s9 =	sld [smem:$0x3FB3]  }
0x2f: {  	lr =	sadd.s32 s0, s3;
	s0 =	sld [smem:$0x3FAA]  }
0x30: {  	s3 =	sld [smem:$0x3FAD]  }
0x31: {  	[smem:$0x3FB6] =	sst s10  }
0x32: {  	s10 =	sld [smem:$0x3FB4];
	_ =	sdelay $0x3  }
0x33: {  	p0 =	seq.s32 s10, $0x1;
	s10 =	sld [smem:$0x3FB6];
	_ =	sdelay $0x3  }
0x34: {  	[smem:$0x3FB6] =	sst s10  }
0x35: {  	s10 =	sld [smem:$0x3FB5];
	_ =	sdelay $0x3  }
0x36: {  	p1 =	seq.s32 s10, $0x1;
	s10 =	sld [smem:$0x3FB6];
	_ =	sdelay $0x3  }
0x37: {  	[smem:$0x3FB6] =	sst s10  }
0x38: {  	s10 =	sld [smem:$0x3FB7]  }
0x39: {  	_ = 	snop;
	(pc) =	sbr.ind lr, $3  }
0x3a: {  	_ = 	snop  }
0x3b: {  	_ = 	snop  }
0x3c: {  	p2 =	seq.s32 s10, $0x1;
	s10 =	sld [smem:$0x3FB6]  }
0x3d: {  	_ =	shalt  }
0x3e: {  	_ =	shalt  }
0x3f: {  	_ =	shalt  }
0x40: {  	_ =	shalt  }
0x41: {  	_ =	shalt  }
0x42: {  	_ =	shalt  }
0x43: {  	_ =	shalt  }
0x44: {  	_ =	shalt  }
0x45: {  	_ =	shalt  }
0x46: {  	_ =	shalt  }
0x47: {  	_ =	shalt  }
0x48: {  	_ =	shalt  }
0x49: {  	_ =	shalt  }
0x4a: {  	_ =	shalt  }
0x4b: {  	_ =	shalt  }
0x4c: {  	_ =	shalt  }
0x4d: {  	_ =	shalt  }
0x4e: {  	_ =	shalt  }
0x4f: {  	_ =	shalt  }
0x50: {  	_ =	shalt  }
0x51: {  	_ =	shalt  }
0x52: {  	_ =	shalt  }
0x53: {  	_ =	shalt  }
0x54: {  	_ =	shalt  }
0x55: {  	_ =	shalt  }
0x56: {  	_ =	shalt  }
0x57: {  	_ =	shalt  }
0x58: {  	_ =	shalt  }
0x59: {  	_ =	shalt  }
0x5a: {  	_ =	shalt  }
0x5b: {  	_ =	shalt  }
0x5c: {  	_ =	shalt  }
0x5d: {  	_ =	shalt  }
0x5e: {  	_ =	shalt  }
0x5f: {  	_ =	shalt  }
0x60: {  	_ =	shalt  }
0x61: {  	_ =	shalt  }
0x62: {  	_ =	shalt  }
0x63: {  	_ =	shalt  }
0x64: {  	_ =	shalt  }
0x65: {  	_ =	shalt  }
0x66: {  	_ =	shalt  }
0x67: {  	_ =	shalt  }
0x68: {  	_ =	shalt  }
0x69: {  	_ =	shalt  }
0x6a: {  	_ =	shalt  }
0x6b: {  	_ =	shalt  }
0x6c: {  	_ =	shalt  }
0x6d: {  	_ =	shalt  }
0x6e: {  	_ =	shalt  }
0x6f: {  	_ =	shalt  }
0x70: {  	_ =	shalt  }
0x71: {  	_ =	shalt  }
0x72: {  	_ =	shalt  }
0x73: {  	_ =	shalt  }
0x74: {  	_ =	shalt  }
0x75: {  	_ =	shalt  }
0x76: {  	_ =	shalt  }
0x77: {  	_ =	shalt  }
0x78: {  	_ =	shalt  }
0x79: {  	_ =	shalt  }
0x7a: {  	_ =	shalt  }
0x7b: {  	_ =	shalt  }
0x7c: {  	_ =	shalt  }
0x7d: {  	_ =	shalt  }
0x7e: {  	_ =	shalt  }
0x7f: {  	_ =	shalt  }
0x80: {  	_ =	shalt  }
0x81: {  	_ =	shalt  }
0x82: {  	_ =	shalt  }
0x83: {  	_ =	shalt  }
0x84: {  	_ =	shalt  }
0x85: {  	_ =	shalt  }
0x86: {  	_ =	shalt  }
0x87: {  	_ =	shalt  }
.Lfunc_end0:
.L_simem_size_0:
called_computation.2_lowered:
.L_overlay_start_0:
0x88: {  	s2 =	sld [smem:$0x3FD9]  }
0x89: {  	s3 =	sld [smem:$0x3FFE];
	_ =	sdelay $0x1  }
0x8a: {  	s1 =	srdreg.scid  }
0x8b: {  	s0 =	sand.u32 $0x1, s1  }
0x8c: {  	s17 =	sshll.u32 s0, $0xA;
	s2 =	sadd.s32 s3, s2  }
0x8d: {  	s2 =	sadd.s32 s2, s17  }
0x8e: {  	[smem:$0x3FC2] =	sst s2  }
0x8f: {  	_ = 	snop  }
0x90: {  	s2 =	sld [smem:$0x3FD0];
	(tm) =	ssettm $0x1  }
0x91: {  	s18 =	sld [smem:$0x3FFB];
	_ =	sdelay $0x3  }
0x92: {  	_ =	strace s18  }
0x93: {  	s3 =	sld [smem:$0x3FFC];
	_ =	sdelay $0x3  }
0x94: {  	_ =	strace s3  }
0x95: {  	s3 =	sld [smem:$0x3FFD];
	_ =	sdelay $0x3  }
0x96: {  	_ =	strace s3  }
0x97: {  	_ =	strace $0x8FFFFFFF  }
0x98: {  	s19 =	sld [smem:$0x3FDB];
	_ =	sdelay $0x1  }
0x99: {  	s4 =	simm.s32 $_scs_section_size  }
0x9a: {  	s5 =	simm.s32 $_size__tile_overlayer_lowered;
	s6 =	simm.s32 $_tile_overlayer_lowered  }
0x9b: {  	s22 =	simm.s32 $0x1BFF;
	s21 =	sshll.u32 s6, $0x1;
	s3 =	sadd.s32 s4, s19  }
0x9c: {  	s7 =	simm.s32 $0x0;
	s20 =	sshll.u32 s5, $0x1;
	s5 =	sadd.s32 s21, s3  }
0x9d: {  	[timem:s7], [sflag:s22] =	dma.local [hbm:s5], s20  }
0x9e: {  	_ =	swait.ge [sflag:s22], s20  }
0x9f: {  	s4 =	ssub.s32 $0x0, s20;
	[sflag:s22] =	ssyncset.done $0x0  }
0xa0: {  	[sflag:s22] =	ssyncadd.s32 s4;
	_ =	sdelay $0x1  }
0xa1: {  	s23 =	simm.s32 $0x1B8B  }
0xa2: {  	_ =	swait.ge [sflag:s23], $0x1  }
0xa3: {  	[sflag:s23] =	ssyncset.done $0x0  }
0xa4: {  	s25 =	simm.s32 $0x1B8E;
	s24 =	sld [smem:$0x3FFE];
	[sflag:s23] =	ssyncadd.s32 $0xFFFFFFFF  }
0xa5: {  	s26 =	simm.s32 $execute0_lowered;
	[smem:$0x3FD2] =	sst s25  }
0xa6: {  	s5 =	sshll.u32 s26, $0x1;
	_ =	strace $0x8000004C;
	[dreg:$0x1] =	wrdreg $0xFFFFFFFF  }
0xa7: {  	s28 =	simm.s32 $_size_execute0_lowered;
	s3 =	sadd.s32 s3, s5;
	[dreg:$0x0] =	wrdreg $0x0  }
0xa8: {  	s5 =	sshll.u32 s28, $0x1;
	[dreg:$0x2] =	wrdreg s3  }
0xa9: {  	[dreg:$0x3] =	wrdreg s5  }
0xaa: {  	[dreg:$0x4] =	wrdreg $0xC0  }
0xab: {  	_ =	task [dreg:s7], $0x5FFFF  }
0xac: {  	[dreg:$0x1] =	wrdreg $0xFFFFFFFF  }
0xad: {  	[dreg:$0x0] =	wrdreg $0x60  }
0xae: {  	[dreg:$0x2] =	wrdreg s2  }
0xaf: {  	[dreg:$0x3] =	wrdreg s24  }
0xb0: {  	[dreg:$0x4] =	wrdreg $0xB5400  }
0xb1: {  	[dreg:$0x5] =	wrdreg $0x9  }
0xb2: {  	_ =	task.clear_ibuf [dreg:s7], $0x6FFFF;
	_ =	strace $0x9000004C  }
0xb3: {  	s29 =	simm.s32 $0x9;
	_ =	strace $0x8000004E  }
0xb4: {  	_ =	swait.ge [sflag:s29], $0x1  }
0xb5: {  	[sflag:s29] =	ssyncadd.s32 $0xFFFFFFFF  }
0xb6: {  	_ =	strace $0x9000004E  }
0xb7: {  	_ =	sfence  }
0xb8: {  	s30 =	sld [smem:$0x0];
	_ =	sdelay $0x2  }
0xb9: {  	s31 =	sshll.u32 s1, $0xD;
	s1 =	sshrl.u32 s1, $0x2  }
0xba: {  	s3 =	sand.u32 $0x4000, s31;
	s1 =	sadd.s32 s1, s30  }
0xbb: {  	s0 =	sor.u32 s3, s0;
	s1 =	sshll.u32 s1, $0x11  }
0xbc: {  	s0 =	sor.u32 s1, s0  }
0xbd: {  	s0 =	sadd.s32 $0x8F2B, s0  }
0xbe: {  	[sflag:s0] =	ssyncadd.remote.s32 $0x1  }
0xbf: {  	_ =	sfence.sel $0xFFFF  }
0xc0: {  	[dreg:$0x0] =	wrdreg $0xFFFFFFFF;
	(pc) =	sbr.abs _section_cstart, $3  }
0xc1: {  	[dreg:$0x1] =	wrdreg $0xFFFFFFFF  }
0xc2: {  	_ =	task.clear_ibuf [dreg:s7], $0x2FFFF;
	_ =	strace $0x9FFFFFFF  }
0xc3: {  	(tm) =	ssettm $0x7FFFFFFF  }
tec
execute0_lowered:
.L_overlay_start_1:
0x0: {  	(tag) =	ssettag $0x1  }
0x1: {  	s2 =	rddreg [dreg:$0x0]  }
0x2: {  	s0 =	srdreg.scid;
	s5 =	rddreg [dreg:$0x1]  }
0x3: {  	s11 =	stileid.u32;
	s3 =	rddreg [dreg:$0x2]  }
0x4: {  	s4 =	simm.s32 $0x0;
	s10 =	simm.s32 $0x6;
	s14 =	simm.s32 $0x64  }
0x5: {  	s15 =	simm.s32 $0x5140;
	s17 =	simm.s32 $0x6A40;
	s18 =	simm.s32 $0xD0  }
0x6: {  	s19 =	simm.s32 $0x8340;
	s20 =	simm.s32 $0x1;
	s21 =	simm.s32 $0x9C40  }
0x7: {  	s28 =	simm.s32 $0x2838;
	s29 =	simm.s32 $0x5008;
	s30 =	simm.s32 $0x5070  }
0x8: {  	s31 =	simm.s32 $0x50D8;
	s0 =	sand.u32 $0x1, s0;
	s7 =	smul.u32 $0x9E00, s11  }
0x9: {  	s1 =	sshll.u32 s11, $0x1;
	s6 =	smul.u32 $0x13C0, s11;
	[smem:$0x7FF] =	sst s4  }
0xa: {  	s26 =	sshll.u32 s11, $0x6;
	s1 =	sor.u32 s0, s1;
	s8 =	smul.u32 $0x13C00, s0  }
0xb: {  	_ =	strace $0x8000004D;
	s0 =	ssub.s32 $0x2, s0;
	s12 =	sor.u32 $0x1C06, s26  }
0xc: {  	s26 =	simm.s32 $0x4FA0;
	s1 =	smul.u32 $0x514, s1;
	s9 =	sshrl.u32 s7, $0x3  }
0xd: {  	s24 =	sshrl.u32 s0, $0x1;
	s25 =	sadd.s32 s7, s3;
	s6 =	sadd.s32 s6, s8  }
0xe: {  	s22 =	sadd.s32 s9, s5;
	s0 =	ssub.s32 s0, s24;
	s13 =	sshrl.u32 s25, $0x3  }
0xf: {  	s24 =	simm.s32 $0x3;
	s25 =	simm.s32 $0x4;
	s1 =	sadd.s32 s1, s5  }
0x10: {  	s23 =	sadd.s32 s6, s5;
	s7 =	sadd.s32 $0x51A00, s22;
	s9 =	smax.u32 s0, $0x1  }
0x11: {  	s22 =	simm.s32 $0x2;
	s5 =	sadd.s32 $0x110600, s1;
	s6 =	sadd.s32 $0x106200, s1  }
0x12: {  	s8 =	sadd.s32 $0x65600, s23;
	s23 =	simm.s32 $0x5;
	s1 =	simm.s32 $0x0  }
.LBB2_1:
0x13: {  	[tilespmem:s4], [sflag:$0x6] =	stream.linear.gather [hbm4b:s5+s4], $0x28A0, $0x38;
	[tilespmem:$0x15340] =	vst v63  }
0x14: {  	_ =	swait.ge [sflag:s10], $0x28A0  }
0x15: {  	[sflag:s10] =	ssyncset.done $0x0  }
0x16: {  	s0 =	simm.s32 $0x28A0;
	[sflag:s10] =	ssyncadd.s32 $0xFFFFD760  }
0x17: {  	[tilespmem:s0], [sflag:$0x6] =	stream.linear.gather [hbm4b:s6+s4], $0x28A0, $0x38;
	[tilespmem:$0x15340] =	vst v63  }
0x18: {  	_ =	swait.ge [sflag:s10], $0x28A0  }
0x19: {  	[sflag:s10] =	ssyncset.done $0x0  }
0x1a: {  	[sflag:s10] =	ssyncadd.s32 $0xFFFFD760  }
0x1b: {  	[spmem:s13], [sflag:s12] =	dma.local [hbm:s7], $0x13C0  }
0x1c: {  	_ =	swait.ge [sflag:s10], $0x13C0  }
0x1d: {  	[sflag:s10] =	ssyncset.done $0x0  }
0x1e: {  	[sflag:s10] =	ssyncadd.s32 $0xFFFFEC40  }
0x1f: {  	[bflag:$0x0] =	sbarrier.arrive $0xFFFF  }
0x20: {  	[tilespmem:s15], [sflag:$0x1] =	stream.indirect.gather [hbm4b:s2+s14], $0x40, s4, s14, $0xb8;
	[tilespmem:$0x15340] =	vst v63  }
0x21: {  	s16 =	simm.s32 $0x68  }
0x22: {  	[tilespmem:s17], [sflag:$0x2] =	stream.indirect.gather [hbm4b:s2+s14], $0x40, s16, s14, $0xb8;
	[tilespmem:$0x15340] =	vst v63  }
0x23: {  	_ = 	snop  }
0x24: {  	[tilespmem:s19], [sflag:$0x3] =	stream.indirect.gather [hbm4b:s2+s14], $0x40, s18, s14, $0xb8;
	[tilespmem:$0x15340] =	vst v63  }
0x25: {  	_ =	swait.ge [sflag:s20], $0x1900  }
0x26: {  	[sflag:s20] =	ssyncset.done $0x0  }
0x27: {  	s11 =	simm.s32 $0x28A0;
	[sflag:s20] =	ssyncadd.s32 $0xFFFFE700  }
0x28: {  	[spmem:s3] =	stream.indirect.scatter.add.f32 [tilespmem:s15], [sflag:$0x5], $0x40, s11, s14, $0xb8;
	[tilespmem:$0x15340] =	vst v63  }
0x29: {  	s16 =	simm.s32 $0x138  }
0x2a: {  	[tilespmem:s21], [sflag:$0x4] =	stream.indirect.gather [hbm4b:s2+s14], $0x40, s16, s14, $0xb8;
	[tilespmem:$0x15340] =	vst v63  }
0x2b: {  	_ =	swait.ge [sflag:s22], $0x1900  }
0x2c: {  	[sflag:s22] =	ssyncset.done $0x0  }
0x2d: {  	[sflag:s22] =	ssyncadd.s32 $0xFFFFE700  }
0x2e: {  	_ =	swait.ge [sflag:s23], $0x1900  }
0x2f: {  	[sflag:s23] =	ssyncset.done $0x0  }
0x30: {  	s11 =	simm.s32 $0x2908;
	[sflag:s23] =	ssyncadd.s32 $0xFFFFE700  }
0x31: {  	[spmem:s3] =	stream.indirect.scatter.add.f32 [tilespmem:s17], [sflag:$0x5], $0x40, s11, s14, $0xb8;
	[tilespmem:$0x15340] =	vst v63  }
0x32: {  	s16 =	simm.s32 $0x1A0  }
0x33: {  	[tilespmem:s15], [sflag:$0x1] =	stream.indirect.gather [hbm4b:s2+s14], $0x40, s16, s14, $0xb8;
	[tilespmem:$0x15340] =	vst v63  }
0x34: {  	_ =	swait.ge [sflag:s24], $0x1900  }
0x35: {  	[sflag:s24] =	ssyncset.done $0x0  }
0x36: {  	[sflag:s24] =	ssyncadd.s32 $0xFFFFE700  }
0x37: {  	_ =	swait.ge [sflag:s23], $0x1900  }
0x38: {  	[sflag:s23] =	ssyncset.done $0x0  }
0x39: {  	s11 =	simm.s32 $0x2970;
	[sflag:s23] =	ssyncadd.s32 $0xFFFFE700  }
0x3a: {  	[spmem:s3] =	stream.indirect.scatter.add.f32 [tilespmem:s19], [sflag:$0x5], $0x40, s11, s14, $0xb8;
	[tilespmem:$0x15340] =	vst v63  }
0x3b: {  	s16 =	simm.s32 $0x208  }
0x3c: {  	[tilespmem:s17], [sflag:$0x2] =	stream.indirect.gather [hbm4b:s2+s14], $0x40, s16, s14, $0xb8;
	[tilespmem:$0x15340] =	vst v63  }
0x3d: {  	_ =	swait.ge [sflag:s25], $0x1900  }
0x3e: {  	[sflag:s25] =	ssyncset.done $0x0  }
0x3f: {  	[sflag:s25] =	ssyncadd.s32 $0xFFFFE700  }
0x40: {  	_ =	swait.ge [sflag:s23], $0x1900  }
0x41: {  	[sflag:s23] =	ssyncset.done $0x0  }
0x42: {  	s11 =	simm.s32 $0x29D8;
	[sflag:s23] =	ssyncadd.s32 $0xFFFFE700  }
0x43: {  	[spmem:s3] =	stream.indirect.scatter.add.f32 [tilespmem:s21], [sflag:$0x5], $0x40, s11, s14, $0xb8;
	[tilespmem:$0x15340] =	vst v63  }
0x44: {  	s16 =	simm.s32 $0x270  }
0x45: {  	[tilespmem:s19], [sflag:$0x3] =	stream.indirect.gather [hbm4b:s2+s14], $0x40, s16, s14, $0xb8;
	[tilespmem:$0x15340] =	vst v63  }
0x46: {  	_ =	swait.ge [sflag:s23], $0x1900  }
0x47: {  	s0 =	simm.s32 $0x680;
	[sflag:s23] =	ssyncset.done $0x0  }
.LBB2_2:
0x48: {  	p0 =	sne.s32 s0, $0x9580  }
0x49: {  	[sflag:s23] =	ssyncadd.s32 $0xFFFFE700;
	s11 =	smov.u32 s0;
	s0 =	sadd.s32 $0x680, s0  }
0x4a: {  	_ = 	snop  }
0x4b: {  	_ =	swait.ge [sflag:s20], $0x1900  }
0x4c: {  	s11 =	sshra.s32 s11, $0x2;
	[sflag:s20] =	ssyncset.done $0x0  }
0x4d: {  	s16 =	sadd.s32 $0x28A0, s11;
	[sflag:s20] =	ssyncadd.s32 $0xFFFFE700  }
0x4e: {  	[spmem:s3] =	stream.indirect.scatter.add.f32 [tilespmem:s15], [sflag:$0x5], $0x40, s16, s14, $0xb8;
	[tilespmem:$0x15340] =	vst v63  }
0x4f: {  	s16 =	sadd.s32 $0x138, s11  }
0x50: {  	[tilespmem:s21], [sflag:$0x4] =	stream.indirect.gather [hbm4b:s2+s14], $0x40, s16, s14, $0xb8;
	[tilespmem:$0x15340] =	vst v63  }
0x51: {  	_ =	swait.ge [sflag:s22], $0x1900  }
0x52: {  	[sflag:s22] =	ssyncset.done $0x0  }
0x53: {  	[sflag:s22] =	ssyncadd.s32 $0xFFFFE700  }
0x54: {  	_ =	swait.ge [sflag:s23], $0x1900  }
0x55: {  	[sflag:s23] =	ssyncset.done $0x0  }
0x56: {  	s16 =	sadd.s32 $0x2908, s11;
	[sflag:s23] =	ssyncadd.s32 $0xFFFFE700  }
0x57: {  	[spmem:s3] =	stream.indirect.scatter.add.f32 [tilespmem:s17], [sflag:$0x5], $0x40, s16, s14, $0xb8;
	[tilespmem:$0x15340] =	vst v63  }
0x58: {  	s16 =	sadd.s32 $0x1A0, s11  }
0x59: {  	[tilespmem:s15], [sflag:$0x1] =	stream.indirect.gather [hbm4b:s2+s14], $0x40, s16, s14, $0xb8;
	[tilespmem:$0x15340] =	vst v63  }
0x5a: {  	_ =	swait.ge [sflag:s24], $0x1900  }
0x5b: {  	[sflag:s24] =	ssyncset.done $0x0  }
0x5c: {  	[sflag:s24] =	ssyncadd.s32 $0xFFFFE700  }
0x5d: {  	_ =	swait.ge [sflag:s23], $0x1900  }
0x5e: {  	[sflag:s23] =	ssyncset.done $0x0  }
0x5f: {  	s16 =	sadd.s32 $0x2970, s11;
	[sflag:s23] =	ssyncadd.s32 $0xFFFFE700  }
0x60: {  	[spmem:s3] =	stream.indirect.scatter.add.f32 [tilespmem:s19], [sflag:$0x5], $0x40, s16, s14, $0xb8;
	[tilespmem:$0x15340] =	vst v63  }
0x61: {  	s16 =	sadd.s32 $0x208, s11  }
0x62: {  	[tilespmem:s17], [sflag:$0x2] =	stream.indirect.gather [hbm4b:s2+s14], $0x40, s16, s14, $0xb8;
	[tilespmem:$0x15340] =	vst v63  }
0x63: {  	_ =	swait.ge [sflag:s25], $0x1900  }
0x64: {  	[sflag:s25] =	ssyncset.done $0x0  }
0x65: {  	[sflag:s25] =	ssyncadd.s32 $0xFFFFE700  }
0x66: {  	_ =	swait.ge [sflag:s23], $0x1900  }
0x67: {  	[sflag:s23] =	ssyncset.done $0x0  }
0x68: {  	s16 =	sadd.s32 $0x29D8, s11;
	[sflag:s23] =	ssyncadd.s32 $0xFFFFE700  }
0x69: {  	[spmem:s3] =	stream.indirect.scatter.add.f32 [tilespmem:s21], [sflag:$0x5], $0x40, s16, s14, $0xb8;
	[tilespmem:$0x15340] =	vst v63  }
.Ltmp0:
0x6a: {  	_ = 	snop;
	(pc) =	sbr.rel @p0 .LBB2_2-.Ltmp0, $4  }
0x6b: {  	s11 =	sadd.s32 $0x270, s11  }
0x6c: {  	[tilespmem:s19], [sflag:$0x3] =	stream.indirect.gather [hbm4b:s2+s14], $0x40, s11, s14, $0xb8;
	[tilespmem:$0x15340] =	vst v63  }
0x6d: {  	_ =	swait.ge [sflag:s23], $0x1900  }
0x6e: {  	[sflag:s23] =	ssyncset.done $0x0  }
0x6f: {  	[sflag:s23] =	ssyncadd.s32 $0xFFFFE700  }
0x70: {  	_ =	swait.ge [sflag:s20], $0x1900  }
0x71: {  	[sflag:s20] =	ssyncset.done $0x0  }
0x72: {  	[sflag:s20] =	ssyncadd.s32 $0xFFFFE700  }
0x73: {  	[spmem:s3] =	stream.indirect.scatter.add.f32 [tilespmem:s15], [sflag:$0x5], $0x40, s26, s14, $0xb8;
	[tilespmem:$0x15340] =	vst v63  }
0x74: {  	_ = 	snop  }
0x75: {  	[tilespmem:s21], [sflag:$0x4] =	stream.indirect.gather [hbm4b:s2+s14], $0x40, s28, s14, $0xb8;
	[tilespmem:$0x15340] =	vst v63  }
0x76: {  	_ =	swait.ge [sflag:s22], $0x1900  }
0x77: {  	[sflag:s22] =	ssyncset.done $0x0  }
0x78: {  	[sflag:s22] =	ssyncadd.s32 $0xFFFFE700  }
0x79: {  	_ =	swait.ge [sflag:s23], $0x1900  }
0x7a: {  	[sflag:s23] =	ssyncset.done $0x0  }
0x7b: {  	[sflag:s23] =	ssyncadd.s32 $0xFFFFE700  }
0x7c: {  	[spmem:s3] =	stream.indirect.scatter.add.f32 [tilespmem:s17], [sflag:$0x5], $0x40, s29, s14, $0xb8;
	[tilespmem:$0x15340] =	vst v63  }
0x7d: {  	_ =	swait.ge [sflag:s24], $0x1900  }
0x7e: {  	[sflag:s24] =	ssyncset.done $0x0  }
0x7f: {  	[sflag:s24] =	ssyncadd.s32 $0xFFFFE700  }
0x80: {  	_ =	swait.ge [sflag:s23], $0x1900  }
0x81: {  	[sflag:s23] =	ssyncset.done $0x0  }
0x82: {  	[sflag:s23] =	ssyncadd.s32 $0xFFFFE700  }
0x83: {  	[spmem:s3] =	stream.indirect.scatter.add.f32 [tilespmem:s19], [sflag:$0x5], $0x40, s30, s14, $0xb8;
	[tilespmem:$0x15340] =	vst v63  }
0x84: {  	_ =	swait.ge [sflag:s25], $0x1900  }
0x85: {  	[sflag:s25] =	ssyncset.done $0x0  }
0x86: {  	[sflag:s25] =	ssyncadd.s32 $0xFFFFE700  }
0x87: {  	_ =	swait.ge [sflag:s23], $0x1900  }
0x88: {  	[sflag:s23] =	ssyncset.done $0x0  }
0x89: {  	[sflag:s23] =	ssyncadd.s32 $0xFFFFE700  }
0x8a: {  	[spmem:s3] =	stream.indirect.scatter.add.f32 [tilespmem:s21], [sflag:$0x5], $0x40, s31, s14, $0xb8;
	[tilespmem:$0x15340] =	vst v63  }
0x8b: {  	_ =	swait.ge [sflag:s23], $0x1900  }
0x8c: {  	s1 =	sadd.s32 $0x1, s1;
	[sflag:s23] =	ssyncset.done $0x0  }
0x8d: {  	p0 =	sne.s32 s1, s9;
	[sflag:s23] =	ssyncadd.s32 $0xFFFFE700  }
.Ltmp1:
0x8e: {  	[bflag:$0x0] =	sbarrier.arrive $0xFFFF;
	(pc) =	sbr.rel @p0 .LBB2_1-.Ltmp1, $4  }
0x8f: {  	[hbm:s8], [sflag:s12] =	dma.local [spmem:s13], $0x13C0  }
0x90: {  	_ =	swait.ge [sflag:s10], $0x13C0  }
0x91: {  	[sflag:s10] =	ssyncset.done $0x0  }
0x92: {  	[sflag:s10] =	ssyncadd.s32 $0xFFFFEC40  }
0x93: {  	_ =	sfence.sel $0x180000  }
0x94: {  	[bflag:$0x0] =	sbarrier.arrive $0xFFFF  }
0x95: {  	_ =	strace $0x9000004D  }
0x96: {  	s0 =	stileid.u32;
	[bflag:$0x2] =	sbarrier.arrive $0xFFFF  }
0x97: {  	p0 =	sne.s32 s0, $0x0;
	s0 =	rddreg [dreg:$0x3]  }
0x98: {  	s0 =	sadd.s32 @!p0 $0x100000, s0  }
0x99: {  	[sflag:s0] =	ssyncadd.tile.s32 @!p0 $0x1;
	_ =	shalt  }
.Lfunc_end2:
_tile_overlayer_lowered:
.L_overlay_start_2:
0x9a: {  	(tag) =	ssettag $0x2  }
0x9b: {  	s0 =	rddreg [dreg:$0x0];
	s2 =	stileid.u32  }
0x9c: {  	s1 =	rddreg [dreg:$0x1];
	p0 =	sne.s32 s2, $0x0  }
0x9d: {  	s3 =	rddreg [dreg:$0x2];
	[bflag:$0x3] =	sbarrier.arrive $0xFFFF;
	s2 =	simm.s32 @!p0 $0x1C06  }
0x9e: {  	[timem:s3], [sflag:s2] =	dma.local @!p0 [hbm:s0], s1  }
0x9f: {  	s0 =	simm.s32 @!p0 $0x6  }
0xa0: {  	_ =	swait.ge @!p0 [sflag:s0], s1  }
0xa1: {  	s1 =	ssub.s32 @!p0 $0x0, s1;
	[sflag:s0] =	ssyncset.done @!p0 $0x0  }
0xa2: {  	[sflag:s0] =	ssyncadd.s32 @!p0 s1  }
0xa3: {  	[bflag:$0x3] =	sbarrier.arrive $0xFFFF  }
0xa4: {  	_ =	shalt  }

// kernel: kernel.8.cloned.1.call-start
scs
__scs_entry_jumppad:
0x0: {  	(pc) =	sbr.rel $0x88, $3  }
0x1: {  	(tag) =	ssettag $0x0;
	lr =	simm.s32 $0x1  }
0x2: {  	[smem:$0x3F9B] =	sst lr;
	_ =	strace $0xD0000000  }
0x3: {  	_ = 	snop  }
0x4: {  	_ = 	snop  }
0x5: {  	_ = 	snop  }
0x6: {  	_ = 	snop  }
0x7: {  	_ = 	snop  }
__scs_overlays_trampoline_lowered:
0x8: {  	[smem:$0x3FAA] =	sst s0  }
0x9: {  	[smem:$0x3FAB] =	sst s1  }
0xa: {  	[smem:$0x3FAC] =	sst s2  }
0xb: {  	[smem:$0x3FAD] =	sst s3  }
0xc: {  	[smem:$0x3FAE] =	sst s4  }
0xd: {  	[smem:$0x3FAF] =	sst s5  }
0xe: {  	[smem:$0x3FB0] =	sst s6  }
0xf: {  	[smem:$0x3FB1] =	sst s7  }
0x10: {  	[smem:$0x3FB2] =	sst s8  }
0x11: {  	[smem:$0x3FB3] =	sst s9;
	s0 =	simm.s32 @!p0 $0x0  }
0x12: {  	s1 =	sld [smem:$0x3F99];
	s0 =	simm.s32 @p0 $0x1  }
0x13: {  	[smem:$0x3FB4] =	sst s0;
	s0 =	simm.s32 @!p1 $0x0  }
0x14: {  	s2 =	sld [smem:$0x3F98];
	s0 =	simm.s32 @p1 $0x1  }
0x15: {  	[smem:$0x3FB5] =	sst s0;
	s0 =	simm.s32 @!p2 $0x0  }
0x16: {  	s3 =	sld [smem:$0x3FDB];
	s0 =	simm.s32 @p2 $0x1  }
0x17: {  	s4 =	simm.s32 $0x1BF5;
	[smem:$0x3FB7] =	sst s0  }
0x18: {  	s0 =	sld [smem:$0x3F9A];
	_ =	swait.ge [sflag:s4], $0x0  }
0x19: {  	s7 =	sld [smem:$0x3F9B]  }
0x1a: {  	s8 =	sadd.s32 $0xFFFFE003, lr  }
0x1b: {  	s9 =	sadd.s32 $0xFFFFFEF7, lr;
	s5 =	simm.s32 $0xFFFFFFFF;
	p2 =	slt.u32 s8, $0xFFFFF086  }
0x1c: {  	p1 =	slt.u32 s9, $0xF7A;
	s5 =	simm.s32 @!p2 $0x0  }
0x1d: {  	s5 =	simm.s32 @p1 $0x1;
	p0 =	seq.s32 s7, s2  }
0x1e: {  	s7 =	smul.u32 @!p0 $0xF7A, s2;
	p2 =	seq.s32 @!p0 s5, $0x0  }
0x1f: {  	s9 =	smul.u32 $0xF7A, s1;
	s8 =	simm.s32 @!p0 $0x1BF5;
	p2 =	por !p2, p0  }
0x20: {  	[sflag:s8] =	ssyncset.s32 @!p0 $0xFFFFF086;
	s6 =	sadd.s32 @!p0 s3, s7;
	s7 =	simm.s32 @!p0 $0x108  }
0x21: {  	s3 =	sadd.s32 s3, s9;
	s6 =	sadd.s32 @!p0 $0x88, s6;
	s7 =	simm.s32 @p2 $0x1082  }
0x22: {  	[simem:s7], [sflag:s8] =	dma.local @!p0 [hbm:s6], $0xF7A  }
0x23: {  	s9 =	sor.u32 $0xD0000000, s2;
	s6 =	simm.s32 $0x108;
	_ =	swait.ge @!p0 [sflag:s8], $0x0  }
0x24: {  	s3 =	sadd.s32 $0x88, s3;
	s6 =	simm.s32 @!p1 $0x1082;
	[sflag:s4] =	ssyncset.s32 $0xFFFFF086  }
0x25: {  	[simem:s6], [sflag:s4] =	dma.local [hbm:s3], $0xF7A  }
0x26: {  	[smem:$0x3F9B] =	sst s1;
	(tag) =	ssettag s2;
	_ =	strace s9  }
0x27: {  	s1 =	sld [smem:$0x3FAB]  }
0x28: {  	s2 =	sld [smem:$0x3FAC]  }
0x29: {  	s4 =	sld [smem:$0x3FAE]  }
0x2a: {  	p0 =	seq.s32 s5, $0x0;
	s5 =	sld [smem:$0x3FAF]  }
0x2b: {  	s6 =	sld [smem:$0x3FB0]  }
0x2c: {  	s7 =	sld [smem:$0x3FB1]  }
0x2d: {  	s3 =	simm.s32 $0x108;
	s8 =	sld [smem:$0x3FB2]  }
0x2e: {  	s3 =	simm.s32 @!p0 $0x1082;
	s9 =	sld [smem:$0x3FB3]  }
0x2f: {  	lr =	sadd.s32 s0, s3;
	s0 =	sld [smem:$0x3FAA]  }
0x30: {  	s3 =	sld [smem:$0x3FAD]  }
0x31: {  	[smem:$0x3FB6] =	sst s10  }
0x32: {  	s10 =	sld [smem:$0x3FB4];
	_ =	sdelay $0x3  }
0x33: {  	p0 =	seq.s32 s10, $0x1;
	s10 =	sld [smem:$0x3FB6];
	_ =	sdelay $0x3  }
0x34: {  	[smem:$0x3FB6] =	sst s10  }
0x35: {  	s10 =	sld [smem:$0x3FB5];
	_ =	sdelay $0x3  }
0x36: {  	p1 =	seq.s32 s10, $0x1;
	s10 =	sld [smem:$0x3FB6];
	_ =	sdelay $0x3  }
0x37: {  	[smem:$0x3FB6] =	sst s10  }
0x38: {  	s10 =	sld [smem:$0x3FB7]  }
0x39: {  	_ = 	snop;
	(pc) =	sbr.ind lr, $3  }
0x3a: {  	_ = 	snop  }
0x3b: {  	_ = 	snop  }
0x3c: {  	p2 =	seq.s32 s10, $0x1;
	s10 =	sld [smem:$0x3FB6]  }
0x3d: {  	_ =	shalt  }
0x3e: {  	_ =	shalt  }
0x3f: {  	_ =	shalt  }
0x40: {  	_ =	shalt  }
0x41: {  	_ =	shalt  }
0x42: {  	_ =	shalt  }
0x43: {  	_ =	shalt  }
0x44: {  	_ =	shalt  }
0x45: {  	_ =	shalt  }
0x46: {  	_ =	shalt  }
0x47: {  	_ =	shalt  }
0x48: {  	_ =	shalt  }
0x49: {  	_ =	shalt  }
0x4a: {  	_ =	shalt  }
0x4b: {  	_ =	shalt  }
0x4c: {  	_ =	shalt  }
0x4d: {  	_ =	shalt  }
0x4e: {  	_ =	shalt  }
0x4f: {  	_ =	shalt  }
0x50: {  	_ =	shalt  }
0x51: {  	_ =	shalt  }
0x52: {  	_ =	shalt  }
0x53: {  	_ =	shalt  }
0x54: {  	_ =	shalt  }
0x55: {  	_ =	shalt  }
0x56: {  	_ =	shalt  }
0x57: {  	_ =	shalt  }
0x58: {  	_ =	shalt  }
0x59: {  	_ =	shalt  }
0x5a: {  	_ =	shalt  }
0x5b: {  	_ =	shalt  }
0x5c: {  	_ =	shalt  }
0x5d: {  	_ =	shalt  }
0x5e: {  	_ =	shalt  }
0x5f: {  	_ =	shalt  }
0x60: {  	_ =	shalt  }
0x61: {  	_ =	shalt  }
0x62: {  	_ =	shalt  }
0x63: {  	_ =	shalt  }
0x64: {  	_ =	shalt  }
0x65: {  	_ =	shalt  }
0x66: {  	_ =	shalt  }
0x67: {  	_ =	shalt  }
0x68: {  	_ =	shalt  }
0x69: {  	_ =	shalt  }
0x6a: {  	_ =	shalt  }
0x6b: {  	_ =	shalt  }
0x6c: {  	_ =	shalt  }
0x6d: {  	_ =	shalt  }
0x6e: {  	_ =	shalt  }
0x6f: {  	_ =	shalt  }
0x70: {  	_ =	shalt  }
0x71: {  	_ =	shalt  }
0x72: {  	_ =	shalt  }
0x73: {  	_ =	shalt  }
0x74: {  	_ =	shalt  }
0x75: {  	_ =	shalt  }
0x76: {  	_ =	shalt  }
0x77: {  	_ =	shalt  }
0x78: {  	_ =	shalt  }
0x79: {  	_ =	shalt  }
0x7a: {  	_ =	shalt  }
0x7b: {  	_ =	shalt  }
0x7c: {  	_ =	shalt  }
0x7d: {  	_ =	shalt  }
0x7e: {  	_ =	shalt  }
0x7f: {  	_ =	shalt  }
0x80: {  	_ =	shalt  }
0x81: {  	_ =	shalt  }
0x82: {  	_ =	shalt  }
0x83: {  	_ =	shalt  }
0x84: {  	_ =	shalt  }
0x85: {  	_ =	shalt  }
0x86: {  	_ =	shalt  }
0x87: {  	_ =	shalt  }
.Lfunc_end0:
.L_simem_size_0:
called_computation_lowered:
.L_overlay_start_0:
0x88: {  	s2 =	sld [smem:$0x3FD9]  }
0x89: {  	s3 =	sld [smem:$0x3FFE];
	_ =	sdelay $0x1  }
0x8a: {  	s1 =	srdreg.scid  }
0x8b: {  	s0 =	sand.u32 $0x1, s1  }
0x8c: {  	s17 =	sshll.u32 s0, $0xA;
	s2 =	sadd.s32 s3, s2  }
0x8d: {  	s2 =	sadd.s32 s2, s17  }
0x8e: {  	[smem:$0x3FC2] =	sst s2  }
0x8f: {  	_ = 	snop  }
0x90: {  	s2 =	sld [smem:$0x3FD0];
	(tm) =	ssettm $0x1  }
0x91: {  	s18 =	sld [smem:$0x3FFB];
	_ =	sdelay $0x3  }
0x92: {  	_ =	strace s18  }
0x93: {  	s3 =	sld [smem:$0x3FFC];
	_ =	sdelay $0x3  }
0x94: {  	_ =	strace s3  }
0x95: {  	s3 =	sld [smem:$0x3FFD];
	_ =	sdelay $0x3  }
0x96: {  	_ =	strace s3  }
0x97: {  	_ =	strace $0x8FFFFFFF  }
0x98: {  	s19 =	sld [smem:$0x3FDB];
	_ =	sdelay $0x1  }
0x99: {  	s4 =	simm.s32 $_scs_section_size  }
0x9a: {  	s5 =	simm.s32 $_size__tile_overlayer_lowered;
	s6 =	simm.s32 $_tile_overlayer_lowered  }
0x9b: {  	s22 =	simm.s32 $0x1BFF;
	s21 =	sshll.u32 s6, $0x1;
	s3 =	sadd.s32 s4, s19  }
0x9c: {  	s7 =	simm.s32 $0x0;
	s20 =	sshll.u32 s5, $0x1;
	s5 =	sadd.s32 s21, s3  }
0x9d: {  	[timem:s7], [sflag:s22] =	dma.local [hbm:s5], s20  }
0x9e: {  	_ =	swait.ge [sflag:s22], s20  }
0x9f: {  	s4 =	ssub.s32 $0x0, s20;
	[sflag:s22] =	ssyncset.done $0x0  }
0xa0: {  	[sflag:s22] =	ssyncadd.s32 s4;
	_ =	sdelay $0x1  }
0xa1: {  	s23 =	simm.s32 $0x1B8B  }
0xa2: {  	_ =	swait.ge [sflag:s23], $0x1  }
0xa3: {  	[sflag:s23] =	ssyncset.done $0x0  }
0xa4: {  	s25 =	simm.s32 $0x1B8E;
	s24 =	sld [smem:$0x3FFE];
	[sflag:s23] =	ssyncadd.s32 $0xFFFFFFFF  }
0xa5: {  	s26 =	simm.s32 $execute0_lowered;
	[smem:$0x3FD2] =	sst s25  }
0xa6: {  	s5 =	sshll.u32 s26, $0x1;
	_ =	strace $0x80000046;
	[dreg:$0x1] =	wrdreg $0xFFFFFFFF  }
0xa7: {  	s28 =	simm.s32 $_size_execute0_lowered;
	s3 =	sadd.s32 s3, s5;
	[dreg:$0x0] =	wrdreg $0x0  }
0xa8: {  	s5 =	sshll.u32 s28, $0x1;
	[dreg:$0x2] =	wrdreg s3  }
0xa9: {  	[dreg:$0x3] =	wrdreg s5  }
0xaa: {  	[dreg:$0x4] =	wrdreg $0xC0  }
0xab: {  	_ =	task [dreg:s7], $0x5FFFF  }
0xac: {  	[dreg:$0x1] =	wrdreg $0xFFFFFFFF  }
0xad: {  	[dreg:$0x0] =	wrdreg $0x60  }
0xae: {  	[dreg:$0x2] =	wrdreg s2  }
0xaf: {  	[dreg:$0x3] =	wrdreg s24  }
0xb0: {  	[dreg:$0x4] =	wrdreg $0x68000  }
0xb1: {  	[dreg:$0x5] =	wrdreg $0x9  }
0xb2: {  	_ =	task.clear_ibuf [dreg:s7], $0x6FFFF;
	_ =	strace $0x90000046  }
0xb3: {  	s29 =	simm.s32 $0x9;
	_ =	strace $0x80000048  }
0xb4: {  	_ =	swait.ge [sflag:s29], $0x1  }
0xb5: {  	[sflag:s29] =	ssyncadd.s32 $0xFFFFFFFF  }
0xb6: {  	_ =	strace $0x90000048  }
0xb7: {  	_ =	sfence  }
0xb8: {  	s30 =	sld [smem:$0x0];
	_ =	sdelay $0x2  }
0xb9: {  	s31 =	sshll.u32 s1, $0xD;
	s1 =	sshrl.u32 s1, $0x2  }
0xba: {  	s3 =	sand.u32 $0x4000, s31;
	s1 =	sadd.s32 s1, s30  }
0xbb: {  	s0 =	sor.u32 s3, s0;
	s1 =	sshll.u32 s1, $0x11  }
0xbc: {  	s0 =	sor.u32 s1, s0  }
0xbd: {  	s0 =	sadd.s32 $0x8F2B, s0  }
0xbe: {  	[sflag:s0] =	ssyncadd.remote.s32 $0x1  }
0xbf: {  	_ =	sfence.sel $0xFFFF  }
0xc0: {  	[dreg:$0x0] =	wrdreg $0xFFFFFFFF;
	(pc) =	sbr.abs _section_cstart, $3  }
0xc1: {  	[dreg:$0x1] =	wrdreg $0xFFFFFFFF  }
0xc2: {  	_ =	task.clear_ibuf [dreg:s7], $0x2FFFF;
	_ =	strace $0x9FFFFFFF  }
0xc3: {  	(tm) =	ssettm $0x7FFFFFFF  }
tec
execute0_lowered:
.L_overlay_start_1:
0x0: {  	(tag) =	ssettag $0x1  }
0x1: {  	s5 =	rddreg [dreg:$0x0]  }
0x2: {  	s6 =	rddreg [dreg:$0x1]  }
0x3: {  	s2 =	rddreg [dreg:$0x2]  }
0x4: {  	s0 =	rddreg [dreg:$0x3]  }
0x5: {  	s3 =	simm.s32 $0x0;
	s1 =	stileid.u32;
	s4 =	srdreg.scid  }
0x6: {  	s13 =	simm.s32 $0x64;
	s14 =	simm.s32 $0x1;
	s15 =	simm.s32 $0x0  }
0x7: {  	s7 =	smul.u32 $0x2780, s1;
	s8 =	sand.u32 $0x1, s4;
	s28 =	sshll.u32 s1, $0x1  }
0x8: {  	[smem:$0x7FF] =	sst s3;
	s4 =	sadd.s32 $0x2A200, s6;
	s11 =	smul.u32 $0x4F000, s1  }
0x9: {  	s31 =	sshll.u32 s1, $0x6;
	s9 =	smul.u32 $0x27800, s8;
	s10 =	sor.u32 s8, s28  }
0xa: {  	_ =	strace $0x80000047;
	s8 =	ssub.s32 $0x2, s8;
	s10 =	smul.u32 $0x680, s10  }
0xb: {  	s29 =	sshrl.u32 s8, $0x1;
	s30 =	sshrl.u32 s11, $0x2;
	s11 =	sor.u32 $0x1C02, s31  }
0xc: {  	s9 =	sadd.s32 s7, s9;
	s7 =	sadd.s32 s7, s6;
	s8 =	ssub.s32 s8, s29  }
0xd: {  	s12 =	sadd.s32 s30, s2;
	s9 =	sadd.s32 s9, s6;
	s5 =	sadd.s32 s5, s10  }
0xe: {  	s6 =	sadd.s32 $0x2A00, s7;
	s8 =	smax.u32 s8, $0x1;
	s10 =	simm.s32 $0x3400  }
0xf: {  	s12 =	sshrl.u32 s12, $0x3;
	s7 =	sadd.s32 $0x2AA00, s9;
	s9 =	simm.s32 $0x2  }
.LBB2_1:
0x10: {  	[tilespmem:s3], [sflag:$0x2] =	stream.linear.gather [hbm4b:s5+s3], $0x3200, $0x38;
	[tilespmem:$0x8F80] =	vst v63  }
0x11: {  	_ =	swait.ge [sflag:s9], $0x3200  }
0x12: {  	[sflag:s9] =	ssyncset.done $0x0  }
0x13: {  	[sflag:s9] =	ssyncadd.s32 $0xFFFFCE00  }
0x14: {  	[tilespmem:s10], [sflag:$0x2] =	stream.linear.gather [hbm4b:s4+s3], $0x3200, $0x38;
	[tilespmem:$0x8F80] =	vst v63  }
0x15: {  	_ =	swait.ge [sflag:s9], $0x3200  }
0x16: {  	[sflag:s9] =	ssyncset.done $0x0  }
0x17: {  	[sflag:s9] =	ssyncadd.s32 $0xFFFFCE00  }
0x18: {  	[spmem:s12], [sflag:s11] =	dma.local [hbm:s6], $0x2780  }
0x19: {  	_ =	swait.ge [sflag:s9], $0x2780  }
0x1a: {  	[sflag:s9] =	ssyncset.done $0x0  }
0x1b: {  	[sflag:s9] =	ssyncadd.s32 $0xFFFFD880  }
0x1c: {  	s16 =	simm.s32 $0x0;
	[bflag:$0x0] =	sbarrier.arrive $0xFFFF  }
0x1d: {  	[spmem:s2] =	stream.indirect.scatter.add.f32 [tilespmem:s10], [sflag:$0x1], $0x10, s16, s13, $0xb8;
	[tilespmem:$0x8F80] =	vst v63  }
0x1e: {  	_ =	swait.ge [sflag:s14], $0x640  }
0x1f: {  	s16 =	simm.s32 $0x200;
	[sflag:s14] =	ssyncset.done $0x0  }
.LBB2_2:
0x20: {  	s17 =	sshra.s32 s16, $0x2;
	[sflag:s14] =	ssyncadd.s32 $0xFFFFF9C0;
	p0 =	sne.s32 s16, $0xC600  }
0x21: {  	[spmem:s2] =	stream.indirect.scatter.add.f32 [tilespmem:s10], [sflag:$0x1], $0x10, s17, s13, $0xb8;
	[tilespmem:$0x8F80] =	vst v63  }
.Ltmp0:
0x22: {  	_ = 	snop;
	(pc) =	sbr.rel @p0 .LBB2_2-.Ltmp0, $4  }
0x23: {  	_ = 	snop  }
0x24: {  	s16 =	sadd.s32 $0x200, s16  }
0x25: {  	_ =	swait.ge [sflag:s14], $0x640  }
0x26: {  	[sflag:s14] =	ssyncset.done $0x0  }
0x27: {  	s15 =	sadd.s32 $0x1, s15  }
0x28: {  	[sflag:s14] =	ssyncadd.s32 $0xFFFFF9C0;
	p0 =	sne.s32 s15, s8  }
.Ltmp1:
0x29: {  	[bflag:$0x0] =	sbarrier.arrive $0xFFFF;
	(pc) =	sbr.rel @p0 .LBB2_1-.Ltmp1, $4  }
0x2a: {  	[hbm:s7], [sflag:s11] =	dma.local [spmem:s12], $0x2780  }
0x2b: {  	_ =	swait.ge [sflag:s9], $0x2780  }
0x2c: {  	[sflag:s9] =	ssyncset.done $0x0  }
0x2d: {  	[sflag:s9] =	ssyncadd.s32 $0xFFFFD880  }
0x2e: {  	_ =	sfence.sel $0x180000  }
0x2f: {  	[bflag:$0x0] =	sbarrier.arrive $0xFFFF  }
0x30: {  	p0 =	sne.s32 s1, $0x0;
	_ =	strace $0x90000047  }
0x31: {  	s0 =	sadd.s32 @!p0 $0x100000, s0;
	[bflag:$0x2] =	sbarrier.arrive $0xFFFF  }
0x32: {  	[sflag:s0] =	ssyncadd.tile.s32 @!p0 $0x1;
	_ =	shalt  }
.Lfunc_end2:
_tile_overlayer_lowered:
.L_overlay_start_2:
0x33: {  	(tag) =	ssettag $0x2  }
0x34: {  	s0 =	rddreg [dreg:$0x0];
	s2 =	stileid.u32  }
0x35: {  	s1 =	rddreg [dreg:$0x1];
	p0 =	sne.s32 s2, $0x0  }
0x36: {  	s3 =	rddreg [dreg:$0x2];
	[bflag:$0x3] =	sbarrier.arrive $0xFFFF;
	s2 =	simm.s32 @!p0 $0x1C02  }
0x37: {  	[timem:s3], [sflag:s2] =	dma.local @!p0 [hbm:s0], s1  }
0x38: {  	s0 =	simm.s32 @!p0 $0x2  }
0x39: {  	_ =	swait.ge @!p0 [sflag:s0], s1  }
0x3a: {  	s1 =	ssub.s32 @!p0 $0x0, s1;
	[sflag:s0] =	ssyncset.done @!p0 $0x0  }
0x3b: {  	[sflag:s0] =	ssyncadd.s32 @!p0 s1  }
0x3c: {  	[bflag:$0x3] =	sbarrier.arrive $0xFFFF  }
0x3d: {  	_ =	shalt  }

</sc_bundles>
